<compile_context>
chip_gen: v7x
topology: tpu7x:2x2x1
jax: 0.10.2.dev20260603
libtpu: 0.0.44.dev20260713+nightly
codegen_flags: <defaults>
</compile_context>

<pallas_src>
import functools

import jax
import jax.numpy as jnp
from jax.experimental import pallas as pl
from jax.experimental.pallas import tpu as pltpu
from jax.experimental.pallas import tpu_sc as plsc

B = 128
D_IN = 64
D_DEC = 64
V = 100000
NCLS = 100
K = 8

BV = 2048
NBLK = 49
NCH = BV // 128
NCAND = NBLK * K
NCANDP = 512

NEG = -1e30
BIGI = 2**30

_GUMBEL = None


def _gumbel_const():
    global _GUMBEL
    if _GUMBEL is None:
        g = jax.random.gumbel(jax.random.key(1), (B, V), jnp.float32)
        _GUMBEL = jax.block_until_ready(g)
    return _GUMBEL


def _rowmax(x):
    return jnp.max(x, axis=1, keepdims=True)


def _rowmin(x):
    return jnp.min(x, axis=1, keepdims=True)


def _extract_topk(vals, idxs, k):
    outs_v, outs_i = [], []
    work = vals
    for _ in range(k):
        m = _rowmax(work)
        i = _rowmin(jnp.where(work == m, idxs, BIGI))
        outs_v.append(m)
        outs_i.append(i)
        work = jnp.where(idxs == i, NEG, work)
    return jnp.concatenate(outs_v, axis=1), jnp.concatenate(outs_i, axis=1)


def _pass1_body(enc_ref, w_ref, tv_ref, ti_ref, lse_ref, ent_ref,
                m_s, s1_s, s2_s, tv_s, ti_s):
    i = pl.program_id(0)

    @pl.when(i == 0)
    def _init():
        m_s[...] = jnp.full((B, 1), NEG, jnp.float32)
        s1_s[...] = jnp.zeros((B, 1), jnp.float32)
        s2_s[...] = jnp.zeros((B, 1), jnp.float32)
        tv_s[...] = jnp.full((B, K), NEG, jnp.float32)
        ti_s[...] = jnp.full((B, K), BIGI, jnp.int32)

    l = jnp.dot(enc_ref[...], w_ref[...], preferred_element_type=jnp.float32)
    gcol = jax.lax.broadcasted_iota(jnp.int32, (B, BV), 1) + i * BV
    l = jnp.where(gcol < V, l, NEG)

    m_old = m_s[...]
    m_new = jnp.maximum(m_old, _rowmax(l))
    scale = jnp.exp(m_old - m_new)
    e = jnp.exp(l - m_new)
    s1_s[...] = s1_s[...] * scale + jnp.sum(e, axis=1, keepdims=True)
    s2_s[...] = s2_s[...] * scale + jnp.sum(e * l, axis=1, keepdims=True)
    m_s[...] = m_new

    chunks = [l[:, c * 128:(c + 1) * 128] for c in range(NCH)]
    champ = chunks[0]
    for c in range(1, NCH):
        champ = jnp.maximum(champ, chunks[c])
    fbest = jnp.full((B, 128), NCH, jnp.int32)
    for c in range(NCH - 1, -1, -1):
        fbest = jnp.where(chunks[c] == champ, c, fbest)
    c2 = jnp.full((B, 128), NEG, jnp.float32)
    for c in range(NCH):
        c2 = jnp.maximum(c2, jnp.where(fbest == c, NEG, chunks[c]))
    f2 = jnp.full((B, 128), NCH, jnp.int32)
    for c in range(NCH - 1, -1, -1):
        f2 = jnp.where((chunks[c] == c2) & (fbest != c), c, f2)
    lane = jax.lax.broadcasted_iota(jnp.int32, (B, 128), 1)
    col1 = i * BV + fbest * 128 + lane
    col2 = jnp.where(f2 == NCH, BIGI, i * BV + f2 * 128 + lane)
    bv, bi = _extract_topk(jnp.concatenate([champ, c2], axis=1),
                           jnp.concatenate([col1, col2], axis=1), K)

    cv = jnp.concatenate([tv_s[...], bv], axis=1)
    ci = jnp.concatenate([ti_s[...], bi], axis=1)
    nv, ni = _extract_topk(cv, ci, K)
    tv_s[...] = nv
    ti_s[...] = ni

    @pl.when(i == NBLK - 1)
    def _fin():
        lse = m_s[...] + jnp.log(s1_s[...])
        lse_ref[...] = lse
        ent_ref[...] = lse - s2_s[...] / s1_s[...]
        tv_ref[...] = tv_s[...]
        ti_ref[...] = ti_s[...]


def _pass2_body(enc_ref, w_ref, g_ref, lse_ref, tv_ref, ti_ref,
                w_out_ref, br_ref, bi_ref, bl_ref, gm_ref, gi_ref,
                ws_s, br_s, bi_s, bl_s, gm_s, gi_s):
    i = pl.program_id(0)

    @pl.when(i == 0)
    def _init():
        ws_s[...] = jnp.zeros((B, 1), jnp.float32)
        br_s[...] = jnp.full((B, 1), NEG, jnp.float32)
        bi_s[...] = jnp.full((B, 1), BIGI, jnp.int32)
        bl_s[...] = jnp.full((B, 1), NEG, jnp.float32)
        gm_s[...] = jnp.full((B, 1), NEG, jnp.float32)
        gi_s[...] = jnp.full((B, 1), BIGI, jnp.int32)

    lse = lse_ref[...]
    tv = tv_ref[...]
    ti = ti_ref[...]
    t8 = tv[:, 7:8]
    i8 = jnp.max(jnp.where(tv == t8, ti, -1), axis=1, keepdims=True)

    l = jnp.dot(enc_ref[...], w_ref[...], preferred_element_type=jnp.float32)
    gcol = jax.lax.broadcasted_iota(jnp.int32, (B, BV), 1) + i * BV
    valid = gcol < V
    l = jnp.where(valid, l, NEG)

    p = jnp.exp(l - lse)
    ws_s[...] = ws_s[...] + jnp.sum(p, axis=1, keepdims=True)

    mask8 = (l > t8) | ((l == t8) & (gcol <= i8))
    g = g_ref[...]

    r = jnp.where(mask8 | (~valid), NEG, (l - lse) + g)
    bm = _rowmax(r)
    b_i = _rowmin(jnp.where(r == bm, gcol, BIGI))
    b_l = _rowmax(jnp.where(gcol == b_i, l, NEG))
    take = bm > br_s[...]
    br_s[...] = jnp.where(take, bm, br_s[...])
    bi_s[...] = jnp.where(take, b_i, bi_s[...])
    bl_s[...] = jnp.where(take, b_l, bl_s[...])

    rg = jnp.where(mask8, g, NEG)
    gbm = _rowmax(rg)
    gbi = _rowmin(jnp.where(rg == gbm, gcol, BIGI))
    gtake = gbm > gm_s[...]
    gm_s[...] = jnp.where(gtake, gbm, gm_s[...])
    gi_s[...] = jnp.where(gtake, gbi, gi_s[...])

    @pl.when(i == NBLK - 1)
    def _fin():
        w_out_ref[...] = ws_s[...]
        br_ref[...] = br_s[...]
        bi_ref[...] = bi_s[...]
        bl_ref[...] = bl_s[...]
        gm_ref[...] = gm_s[...]
        gi_ref[...] = gi_s[...]


def _pass3_body(rows8_ref, rows_s_ref, dec_ref, wdec_ref, wout_ref, lab_ref,
                tv_ref, ti_ref, lse_ref, ent_ref, w_ref, br_ref, bi_ref,
                bl_ref, gm_ref, gi_ref, out_ref):
    base = jnp.dot(dec_ref[...], wdec_ref[...], preferred_element_type=jnp.float32)
    wout = wout_ref[...]
    ccol = jax.lax.broadcasted_iota(jnp.int32, (B, 128), 1)
    cvalid = ccol < NCLS
    lab = lab_ref[...]

    losses = []
    for j in range(K + 1):
        c = rows_s_ref[...] if j == K else rows8_ref[pl.ds(j * B, B), :]
        o = jnp.dot(c + base, wout, preferred_element_type=jnp.float32)
        o = jnp.where(cvalid, o, NEG)
        m = _rowmax(o)
        lseo = m + jnp.log(jnp.sum(jnp.exp(o - m), axis=1, keepdims=True))
        olab = jnp.sum(jnp.where(ccol == lab, o, 0.0), axis=1, keepdims=True)
        losses.append(lseo - olab)

    lse = lse_ref[...]
    tv = tv_ref[...]
    ti = ti_ref[...]

    summed = jnp.zeros((B, 1), jnp.float32)
    ptop = jnp.zeros((B, 1), jnp.float32)
    for j in range(K):
        lpj = tv[:, j:j + 1] - lse
        pj = jnp.exp(lpj)
        summed = summed + (losses[j] * lpj + losses[j]) * pj
        ptop = ptop + pj
    w_adj = w_ref[...] - ptop

    gi = gi_ref[...]
    is_m = ti == gi
    loss_all = jnp.concatenate(losses[:K], axis=1)
    loss_m = jnp.sum(jnp.where(is_m, loss_all, 0.0), axis=1, keepdims=True)
    lp_m = jnp.sum(jnp.where(is_m, tv, 0.0), axis=1, keepdims=True) - lse

    br = br_ref[...]
    bl = bl_ref[...]
    bi = bi_ref[...]
    gstar = br - (bl - lse)
    pstar = jnp.exp(bl - lse)
    s_u = jnp.log((pstar + 1e-12) / (w_adj + 1e-12) + 1e-20) + gstar
    s_m = jnp.log(jnp.full((B, 1), 1e-20, jnp.float32)) + gm_ref[...]
    pick_u = (s_u > s_m) | ((s_u == s_m) & (bi < gi))

    loss_s = jnp.where(pick_u, losses[K], loss_m)
    lp_s = jnp.where(pick_u, bl - lse, lp_m)
    grad_s = loss_s * lp_s + loss_s
    total = grad_s * w_adj + summed

    full = jnp.mean(total) - 0.01 * jnp.mean(ent_ref[...])
    out_ref[...] = full * jnp.ones((8, 128), jnp.float32)


def _gather_rows(table, idx):
    info = plsc.get_sparse_core_info()
    nw = info.num_cores * info.num_subcores
    n = idx.shape[0]
    bpw = n // nw
    d = table.shape[1]
    mesh = plsc.VectorSubcoreMesh(core_axis_name="c", subcore_axis_name="s")

    @functools.partial(
        pl.kernel, mesh=mesh,
        compiler_params=pltpu.CompilerParams(use_tc_tiling_on_sc=False),
        out_type=jax.ShapeDtypeStruct((n, d), jnp.float32),
        scratch_types=[
            pltpu.VMEM((bpw,), jnp.int32),
            pltpu.VMEM((bpw, d), jnp.float32),
            pltpu.SemaphoreType.DMA,
        ],
    )
    def k(table_hbm, idx_hbm, out_hbm, idx_v, rows_v, sem):
        wid = jax.lax.axis_index("s") * info.num_cores + jax.lax.axis_index("c")
        base = wid * bpw
        pltpu.sync_copy(idx_hbm.at[pl.ds(base, bpw)], idx_v)
        pltpu.async_copy(table_hbm.at[idx_v], rows_v, sem).wait()
        pltpu.sync_copy(rows_v, out_hbm.at[pl.ds(base, bpw)])

    return k(table, idx)


def kernel(encoder_input, decoder_input, labels, W_enc, codebook, W_dec, W_out):
    g = _gumbel_const()
    w_out_p = jnp.pad(W_out, ((0, 0), (0, 128 - NCLS)))
    lab2 = labels.astype(jnp.int32).reshape(B, 1)

    grid = (NBLK,)
    cparams = pltpu.CompilerParams(dimension_semantics=("arbitrary",))

    tv, ti, lse, ent = pl.pallas_call(
        _pass1_body,
        grid=grid,
        in_specs=[
            pl.BlockSpec((B, D_IN), lambda i: (0, 0)),
            pl.BlockSpec((D_IN, BV), lambda i: (0, i)),
        ],
        out_specs=[
            pl.BlockSpec((B, K), lambda i: (0, 0)),
            pl.BlockSpec((B, K), lambda i: (0, 0)),
            pl.BlockSpec((B, 1), lambda i: (0, 0)),
            pl.BlockSpec((B, 1), lambda i: (0, 0)),
        ],
        out_shape=[
            jax.ShapeDtypeStruct((B, K), jnp.float32),
            jax.ShapeDtypeStruct((B, K), jnp.int32),
            jax.ShapeDtypeStruct((B, 1), jnp.float32),
            jax.ShapeDtypeStruct((B, 1), jnp.float32),
        ],
        scratch_shapes=[
            pltpu.VMEM((B, 1), jnp.float32),
            pltpu.VMEM((B, 1), jnp.float32),
            pltpu.VMEM((B, 1), jnp.float32),
            pltpu.VMEM((B, K), jnp.float32),
            pltpu.VMEM((B, K), jnp.int32),
        ],
        compiler_params=cparams,
    )(encoder_input, W_enc)

    w, br, bi, bl, gm, gi = pl.pallas_call(
        _pass2_body,
        grid=grid,
        in_specs=[
            pl.BlockSpec((B, D_IN), lambda i: (0, 0)),
            pl.BlockSpec((D_IN, BV), lambda i: (0, i)),
            pl.BlockSpec((B, BV), lambda i: (0, i)),
            pl.BlockSpec((B, 1), lambda i: (0, 0)),
            pl.BlockSpec((B, K), lambda i: (0, 0)),
            pl.BlockSpec((B, K), lambda i: (0, 0)),
        ],
        out_specs=[pl.BlockSpec((B, 1), lambda i: (0, 0))] * 6,
        out_shape=[
            jax.ShapeDtypeStruct((B, 1), jnp.float32),
            jax.ShapeDtypeStruct((B, 1), jnp.float32),
            jax.ShapeDtypeStruct((B, 1), jnp.int32),
            jax.ShapeDtypeStruct((B, 1), jnp.float32),
            jax.ShapeDtypeStruct((B, 1), jnp.float32),
            jax.ShapeDtypeStruct((B, 1), jnp.int32),
        ],
        scratch_shapes=[
            pltpu.VMEM((B, 1), jnp.float32),
            pltpu.VMEM((B, 1), jnp.float32),
            pltpu.VMEM((B, 1), jnp.int32),
            pltpu.VMEM((B, 1), jnp.float32),
            pltpu.VMEM((B, 1), jnp.float32),
            pltpu.VMEM((B, 1), jnp.int32),
        ],
        compiler_params=cparams,
    )(encoder_input, W_enc, g, lse, tv, ti)

    idx = jnp.concatenate([
        ti.T.reshape(-1),
        bi.reshape(-1),
        jnp.zeros((128,), jnp.int32),
    ])
    rows = _gather_rows(codebook, idx)
    rows8 = rows[:K * B]
    rows_s = rows[K * B:K * B + B]

    out = pl.pallas_call(
        _pass3_body,
        grid=(1,),
        in_specs=[
            pl.BlockSpec((K * B, D_DEC), lambda i: (0, 0)),
            pl.BlockSpec((B, D_DEC), lambda i: (0, 0)),
            pl.BlockSpec((B, D_DEC), lambda i: (0, 0)),
            pl.BlockSpec((D_DEC, D_DEC), lambda i: (0, 0)),
            pl.BlockSpec((D_DEC, 128), lambda i: (0, 0)),
            pl.BlockSpec((B, 1), lambda i: (0, 0)),
            pl.BlockSpec((B, K), lambda i: (0, 0)),
            pl.BlockSpec((B, K), lambda i: (0, 0)),
        ] + [pl.BlockSpec((B, 1), lambda i: (0, 0))] * 8,
        out_specs=pl.BlockSpec((8, 128), lambda i: (0, 0)),
        out_shape=jax.ShapeDtypeStruct((8, 128), jnp.float32),
        compiler_params=cparams,
    )(rows8, rows_s, decoder_input, W_dec, w_out_p, lab2,
      tv, ti, lse, ent, w, br, bi, bl, gm, gi)

    return out[0, 0]

# --- scband reference (transcript-rebuilt; emitter-appended) ---
"""Pipeline reference for scband-sum-and-sample-81106162418235 (READ-ONLY COPY).

The authoritative reference and input builder live on the scoring server;
editing this copy changes nothing except your own understanding.
"""

import jax, jax.numpy as jnp
import numpy as np

B = 128
D_IN = 64
D_DEC = 64
VOCAB = 100000
N_CLASSES = 100
TOPK = 8
ENC_ENT_COEFF = 0.01


def setup_inputs(seed: int = 0) -> dict:
    key = jax.random.key(seed)
    k1, k2, k3, k4, k5, k6, k7 = jax.random.split(key, 7)
    encoder_input = jax.random.normal(k1, (B, D_IN), dtype=jnp.float32)
    decoder_input = jax.random.normal(k2, (B, D_DEC), dtype=jnp.float32)
    labels = jax.random.randint(k3, (B,), 0, N_CLASSES, dtype=jnp.int64 if jax.config.jax_enable_x64 else jnp.int32)
    W_enc = jax.random.normal(k4, (D_IN, VOCAB), dtype=jnp.float32) * 0.05
    codebook = jax.random.normal(k5, (VOCAB, D_DEC), dtype=jnp.float32) * 0.05
    W_dec = jax.random.normal(k6, (D_DEC, D_DEC), dtype=jnp.float32) * 0.05
    W_out = jax.random.normal(k7, (D_DEC, N_CLASSES), dtype=jnp.float32) * 0.05
    return {"encoder_input": encoder_input, "decoder_input": decoder_input, "labels": labels,
            "W_enc": W_enc, "codebook": codebook, "W_dec": W_dec, "W_out": W_out}


def _decoder(z, dec_in, codebook, W_dec, W_out):
    h = jnp.take(codebook, z, axis=0) + dec_in @ W_dec
    return h @ W_out


def _loss_fn(dec_out, labels):
    lp = jax.nn.log_softmax(dec_out, axis=-1)
    return -jnp.take_along_axis(lp, labels[:, None], axis=1)[:, 0]


def reference(encoder_input, decoder_input, labels, W_enc, codebook, W_dec, W_out):
    # encoder: linear -> log_softmax over vocab
    logits = encoder_input @ W_enc
    encoder_log_prob = jax.nn.log_softmax(logits, axis=-1)
    prob_full = jnp.exp(encoder_log_prob)
    encoder_entropy = -jnp.sum(prob_full * encoder_log_prob, axis=-1)
    entropy_loss = -(encoder_entropy.mean() * ENC_ENT_COEFF)

    # training branch
    encoder_prob = jax.lax.stop_gradient(jnp.exp(encoder_log_prob))
    bsz, vocab = encoder_prob.shape
    seq_tensor = jnp.arange(bsz)
    # get_concentrated_mask: topk + scatter-set mask
    _, topk_domain = jax.lax.top_k(encoder_prob, TOPK)
    concentrated_mask = jnp.zeros((bsz, vocab), dtype=jnp.float32).at[seq_tensor[:, None], topk_domain].set(1.0)
    concentrated_mask = jax.lax.stop_gradient(concentrated_mask)

    summed_term = 0.0
    for ii in range(TOPK):
        possible_z = topk_domain[:, ii]
        decoder_output = _decoder(possible_z, decoder_input, codebook, W_dec, W_out)
        loss_sum_term = _loss_fn(decoder_output, labels)
        encoder_log_prob_i = encoder_log_prob[seq_tensor, possible_z]
        grad_estimate_loss = jax.lax.stop_gradient(loss_sum_term) * encoder_log_prob_i + loss_sum_term
        summed_weights = encoder_prob[seq_tensor, possible_z]
        summed_term = summed_term + grad_estimate_loss * summed_weights

    sampled_weight = jnp.sum(encoder_prob * (1.0 - concentrated_mask), axis=1, keepdims=True)
    conditional_encoder_prob = (encoder_prob + 1e-12) * (1.0 - concentrated_mask) / (sampled_weight + 1e-12)
    conditional_z_sample = jax.random.categorical(jax.random.key(1), jnp.log(conditional_encoder_prob + 1e-20), axis=-1)
    conditional_z_sample = jax.lax.stop_gradient(conditional_z_sample)
    decoder_output = _decoder(conditional_z_sample, decoder_input, codebook, W_dec, W_out)
    loss_sum_term = _loss_fn(decoder_output, labels)
    encoder_log_prob_i = encoder_log_prob[seq_tensor, conditional_z_sample]
    grad_estimate_loss_sample = jax.lax.stop_gradient(loss_sum_term) * encoder_log_prob_i + loss_sum_term

    loss = grad_estimate_loss_sample * sampled_weight[:, 0] + summed_term
    full_loss = loss.mean() + entropy_loss
    return full_loss

if __name__ == "__main__":
    import jax
    _d = setup_inputs()
    print(jax.jit(kernel)(*tuple(_d.values())))

</pallas_src>

<mosaic_0001>
#map = affine_map<(d0, d1) -> (0, 0)>
#map1 = affine_map<(d0, d1) -> (0)>
module attributes {stable_mosaic.version = 14 : i64} {
  func.func @k(%arg0: i32, %arg1: i32, %arg2: memref<100000x64xf32, #tpu.memory_space<hbm>>, %arg3: memref<1280xi32, #tpu.memory_space<hbm>>, %arg4: memref<1280x64xf32, #tpu.memory_space<hbm>>, %arg5: memref<40xi32, #tpu.memory_space<vmem>>, %arg6: memref<40x64xf32, #tpu.memory_space<vmem>>, %arg7: memref<!tpu.dma_semaphore, #tpu.memory_space<semaphore_mem>>) attributes {dimension_semantics = [#tpu.dimension_semantics<core_parallel>, #tpu.dimension_semantics<subcore_parallel>], iteration_bounds = array<i64: 2, 16>, scalar_prefetch = 0 : i64, scratch_operands = 3 : i64, tpu.core_type = #tpu.core_type<sc_vector_subcore>, window_params = [{transform_indices = #map}, {transform_indices = #map1}, {transform_indices = #map}]} {
    %mul3A = arith.constant 2 : i32
    %mul3A_0 = arith.muli %arg1, %mul3A : i32
    %add3A = arith.addi %mul3A_0, %arg0 : i32
    %mul3A_1 = arith.constant 40 : i32
    %mul3A_2 = arith.muli %add3A, %mul3A_1 : i32
    "tpu.region"() ({
      %run_scoped3A = tpu.sem_alloc : memref<!tpu.dma_semaphore, #tpu.memory_space<semaphore_mem>>
      %dma_start3A_7 = tpu.memref_slice %arg3[%mul3A_2] : memref<1280xi32, #tpu.memory_space<hbm>> -> memref<40xi32, #tpu.memory_space<hbm>>
      %dma_start3A_8 = tpu.memref_slice %arg3[%mul3A_2] : memref<1280xi32, #tpu.memory_space<hbm>> -> memref<40xi32, #tpu.memory_space<hbm>>
      tpu.enqueue_dma source(%dma_start3A_8 : memref<40xi32, #tpu.memory_space<hbm>>) target(%arg5 : memref<40xi32, #tpu.memory_space<vmem>>) target_semaphore(%run_scoped3A : memref<!tpu.dma_semaphore, #tpu.memory_space<semaphore_mem>>)
      %dma_wait3A_9 = tpu.memref_slice %arg3[%mul3A_2] : memref<1280xi32, #tpu.memory_space<hbm>> -> memref<40xi32, #tpu.memory_space<hbm>>
      %dma_wait3A_10 = tpu.memref_slice %arg3[%mul3A_2] : memref<1280xi32, #tpu.memory_space<hbm>> -> memref<40xi32, #tpu.memory_space<hbm>>
      tpu.wait_dma2 semaphore(%run_scoped3A : memref<!tpu.dma_semaphore, #tpu.memory_space<semaphore_mem>>) src(%dma_wait3A_10 : memref<40xi32, #tpu.memory_space<hbm>>) dst(%arg5 : memref<40xi32, #tpu.memory_space<vmem>>)
      tpu.yield
    }) : () -> ()
    %dma_start3A = arith.constant 0 : i32
    %dma_start3A_3 = arith.constant 0 : i32
    %dma_start3A_4 = tpu.memref_slice %arg2[%dma_start3A, %dma_start3A_3] : memref<100000x64xf32, #tpu.memory_space<hbm>> -> memref<100000x64xf32, #tpu.memory_space<hbm>>
    tpu.enqueue_indirect_dma source(%dma_start3A_4 : memref<100000x64xf32, #tpu.memory_space<hbm>>) target(%arg6 : memref<40x64xf32, #tpu.memory_space<vmem>>) offsets(%arg5 : memref<40xi32, #tpu.memory_space<vmem>>) semaphore(%arg7 : memref<!tpu.dma_semaphore, #tpu.memory_space<semaphore_mem>>)
    %dma_wait3A = arith.constant 0 : i32
    %dma_wait3A_5 = arith.constant 0 : i32
    %dma_wait3A_6 = tpu.memref_slice %arg2[%dma_wait3A, %dma_wait3A_5] : memref<100000x64xf32, #tpu.memory_space<hbm>> -> memref<100000x64xf32, #tpu.memory_space<hbm>>
    tpu.wait_indirect_dma semaphore(%arg7 : memref<!tpu.dma_semaphore, #tpu.memory_space<semaphore_mem>>) src(%dma_wait3A_6 : memref<100000x64xf32, #tpu.memory_space<hbm>>) dst(%arg6 : memref<40x64xf32, #tpu.memory_space<vmem>>)
    "tpu.region"() ({
      %run_scoped3A = tpu.sem_alloc : memref<!tpu.dma_semaphore, #tpu.memory_space<semaphore_mem>>
      %dma_start3A_7 = arith.constant 0 : i32
      %dma_start3A_8 = tpu.memref_slice %arg4[%mul3A_2, %dma_start3A_7] : memref<1280x64xf32, #tpu.memory_space<hbm>> -> memref<40x64xf32, #tpu.memory_space<hbm>>
      %dma_start3A_9 = arith.constant 0 : i32
      %dma_start3A_10 = tpu.memref_slice %arg4[%mul3A_2, %dma_start3A_9] : memref<1280x64xf32, #tpu.memory_space<hbm>> -> memref<40x64xf32, #tpu.memory_space<hbm>>
      tpu.enqueue_dma source(%arg6 : memref<40x64xf32, #tpu.memory_space<vmem>>) target(%dma_start3A_10 : memref<40x64xf32, #tpu.memory_space<hbm>>) target_semaphore(%run_scoped3A : memref<!tpu.dma_semaphore, #tpu.memory_space<semaphore_mem>>)
      %dma_wait3A_11 = arith.constant 0 : i32
      %dma_wait3A_12 = tpu.memref_slice %arg4[%mul3A_2, %dma_wait3A_11] : memref<1280x64xf32, #tpu.memory_space<hbm>> -> memref<40x64xf32, #tpu.memory_space<hbm>>
      %dma_wait3A_13 = arith.constant 0 : i32
      %dma_wait3A_14 = tpu.memref_slice %arg4[%mul3A_2, %dma_wait3A_13] : memref<1280x64xf32, #tpu.memory_space<hbm>> -> memref<40x64xf32, #tpu.memory_space<hbm>>
      tpu.wait_dma2 semaphore(%run_scoped3A : memref<!tpu.dma_semaphore, #tpu.memory_space<semaphore_mem>>) src(%arg6 : memref<40x64xf32, #tpu.memory_space<vmem>>) dst(%dma_wait3A_14 : memref<40x64xf32, #tpu.memory_space<hbm>>)
      tpu.yield
    }) : () -> ()
    return
  }
}

module attributes {stable_mosaic.version = 14 : i64} {
  func.func @_pass1_body(%arg0: i32, %arg1: memref<128x64xf32, #tpu.memory_space<vmem>>, %arg2: memref<64x2048xf32, #tpu.memory_space<vmem>>, %arg3: memref<128x8xf32, #tpu.memory_space<vmem>>, %arg4: memref<128x8xi32, #tpu.memory_space<vmem>>, %arg5: memref<128x1xf32, #tpu.memory_space<vmem>>, %arg6: memref<128x1xf32, #tpu.memory_space<vmem>>, %arg7: memref<128x1xf32, #tpu.memory_space<vmem>>, %arg8: memref<128x1xf32, #tpu.memory_space<vmem>>, %arg9: memref<128x1xf32, #tpu.memory_space<vmem>>, %arg10: memref<128x8xf32, #tpu.memory_space<vmem>>, %arg11: memref<128x8xi32, #tpu.memory_space<vmem>>) attributes {dimension_semantics = [#tpu.dimension_semantics<arbitrary>], iteration_bounds = array<i64: 49>, scalar_prefetch = 0 : i64, scratch_operands = 5 : i64, tpu.core_type = #tpu.core_type<tc>, window_params = [{pipeline_mode = #tpu.pipeline_mode<synchronous>, transform_indices = @transform_0, window_bounds = array<i64: 128, 64>}, {transform_indices = @transform_1, window_bounds = array<i64: 64, 2048>}, {pipeline_mode = #tpu.pipeline_mode<synchronous>, transform_indices = @transform_2, window_bounds = array<i64: 128, 8>}, {pipeline_mode = #tpu.pipeline_mode<synchronous>, transform_indices = @transform_3, window_bounds = array<i64: 128, 8>}, {pipeline_mode = #tpu.pipeline_mode<synchronous>, transform_indices = @transform_4, window_bounds = array<i64: 128, 1>}, {pipeline_mode = #tpu.pipeline_mode<synchronous>, transform_indices = @transform_5, window_bounds = array<i64: 128, 1>}]} {
    %eq3A = arith.constant 0 : i32
    %eq3A_0 = arith.cmpi eq, %arg0, %eq3A : i32
    %convert_element_type3A = arith.extui %eq3A_0 : i1 to i32
    %cond3A = arith.constant 0 : i32
    %cond3A_1 = arith.cmpi ne, %convert_element_type3A, %cond3A : i32
    scf.if %cond3A_1 {
      %broadcast_in_dim3A_674 = arith.constant -1.000000e+30 : f32
      %broadcast_in_dim3A_675 = vector.broadcast %broadcast_in_dim3A_674 : f32 to vector<128x1xf32>
      %swap3A_676 = arith.constant 0 : index
      %swap3A_677 = arith.constant 0 : index
      %swap3A_678 = vector.load %arg7[%swap3A_676, %swap3A_677] : memref<128x1xf32, #tpu.memory_space<vmem>>, vector<128x1xf32>
      tpu.vector_store %arg7[%swap3A_676, %swap3A_677], %broadcast_in_dim3A_675 {strides = array<i32>} : memref<128x1xf32, #tpu.memory_space<vmem>>, vector<128x1xf32>,
      %broadcast_in_dim3A_679 = arith.constant 0.000000e+00 : f32
      %broadcast_in_dim3A_680 = vector.broadcast %broadcast_in_dim3A_679 : f32 to vector<128x1xf32>
      %swap3A_681 = arith.constant 0 : index
      %swap3A_682 = arith.constant 0 : index
      %swap3A_683 = vector.load %arg8[%swap3A_681, %swap3A_682] : memref<128x1xf32, #tpu.memory_space<vmem>>, vector<128x1xf32>
      tpu.vector_store %arg8[%swap3A_681, %swap3A_682], %broadcast_in_dim3A_680 {strides = array<i32>} : memref<128x1xf32, #tpu.memory_space<vmem>>, vector<128x1xf32>,
      %broadcast_in_dim3A_684 = arith.constant 0.000000e+00 : f32
      %broadcast_in_dim3A_685 = vector.broadcast %broadcast_in_dim3A_684 : f32 to vector<128x1xf32>
      %swap3A_686 = arith.constant 0 : index
      %swap3A_687 = arith.constant 0 : index
      %swap3A_688 = vector.load %arg9[%swap3A_686, %swap3A_687] : memref<128x1xf32, #tpu.memory_space<vmem>>, vector<128x1xf32>
      tpu.vector_store %arg9[%swap3A_686, %swap3A_687], %broadcast_in_dim3A_685 {strides = array<i32>} : memref<128x1xf32, #tpu.memory_space<vmem>>, vector<128x1xf32>,
      %broadcast_in_dim3A_689 = arith.constant -1.000000e+30 : f32
      %broadcast_in_dim3A_690 = vector.broadcast %broadcast_in_dim3A_689 : f32 to vector<128x8xf32>
      %swap3A_691 = arith.constant 0 : index
      %swap3A_692 = arith.constant 0 : index
      %swap3A_693 = vector.load %arg10[%swap3A_691, %swap3A_692] : memref<128x8xf32, #tpu.memory_space<vmem>>, vector<128x8xf32>
      tpu.vector_store %arg10[%swap3A_691, %swap3A_692], %broadcast_in_dim3A_690 {strides = array<i32>} : memref<128x8xf32, #tpu.memory_space<vmem>>, vector<128x8xf32>,
      %broadcast_in_dim3A_694 = arith.constant 1073741824 : i32
      %broadcast_in_dim3A_695 = vector.broadcast %broadcast_in_dim3A_694 : i32 to vector<128x8xi32>
      %swap3A_696 = arith.constant 0 : index
      %swap3A_697 = arith.constant 0 : index
      %swap3A_698 = vector.load %arg11[%swap3A_696, %swap3A_697] : memref<128x8xi32, #tpu.memory_space<vmem>>, vector<128x8xi32>
      tpu.vector_store %arg11[%swap3A_696, %swap3A_697], %broadcast_in_dim3A_695 {strides = array<i32>} : memref<128x8xi32, #tpu.memory_space<vmem>>, vector<128x8xi32>,
    } else {
    }
    %get3A = arith.constant 0 : index
    %get3A_2 = arith.constant 0 : index
    %get3A_3 = vector.load %arg1[%get3A, %get3A_2] : memref<128x64xf32, #tpu.memory_space<vmem>>, vector<128x64xf32>
    %get3A_4 = arith.constant 0 : index
    %get3A_5 = arith.constant 0 : index
    %get3A_6 = vector.load %arg2[%get3A_4, %get3A_5] : memref<64x2048xf32, #tpu.memory_space<vmem>>, vector<64x2048xf32>
    %dot_general3A = arith.constant dense<0.000000e+00> : vector<128x2048xf32>
    %dot_general3A_7 = tpu.matmul %get3A_3, %get3A_6, %dot_general3A {dimension_numbers = #tpu.dot_dimension_numbers<[1], [0], [0], [1], [0, 0, 1, 1], [], []>, transpose_lhs_hint = false} : vector<128x64xf32>, vector<64x2048xf32>, vector<128x2048xf32> -> vector<128x2048xf32>
    %iota3A = tpu.iota {dimensions = array<i32: 1>} : vector<128x2048xi32>
    %mul3A = arith.constant 2048 : i32
    %mul3A_8 = arith.muli %arg0, %mul3A : i32
    %add3A = vector.broadcast %mul3A_8 : i32 to vector<128x2048xi32>
    %add3A_9 = arith.addi %iota3A, %add3A : vector<128x2048xi32>
    %lt3A = arith.constant 100000 : i32
    %lt3A_10 = vector.broadcast %lt3A : i32 to vector<128x2048xi32>
    %lt3A_11 = arith.cmpi slt, %add3A_9, %lt3A_10 : vector<128x2048xi32>
    %jit3A = arith.constant -1.000000e+30 : f32
    %broadcast_in_dim3A = vector.broadcast %jit3A : f32 to vector<128x2048xf32>
    %select_n3A = arith.select %lt3A_11, %dot_general3A_7, %broadcast_in_dim3A : vector<128x2048xi1>, vector<128x2048xf32>
    %get3A_12 = arith.constant 0 : index
    %get3A_13 = arith.constant 0 : index
    %get3A_14 = vector.load %arg7[%get3A_12, %get3A_13] : memref<128x1xf32, #tpu.memory_space<vmem>>, vector<128x1xf32>
    %reduce_max3A = arith.constant dense<0xFF800000> : vector<128xf32>
    %reduce_max3A_15 = vector.multi_reduction <maximumf>, %select_n3A, %reduce_max3A [1] : vector<128x2048xf32> to vector<128xf32>
    %broadcast_in_dim3A_16 = vector.shape_cast %reduce_max3A_15 : vector<128xf32> to vector<128x1xf32>
    %max3A = arith.maximumf %get3A_14, %broadcast_in_dim3A_16 : vector<128x1xf32>
    %sub3A = arith.subf %get3A_14, %max3A : vector<128x1xf32>
    %exp3A = math.exp %sub3A : vector<128x1xf32>
    %sub3A_17 = vector.broadcast %max3A : vector<128x1xf32> to vector<128x2048xf32>
    %sub3A_18 = arith.subf %select_n3A, %sub3A_17 : vector<128x2048xf32>
    %exp3A_19 = math.exp %sub3A_18 : vector<128x2048xf32>
    %get3A_20 = arith.constant 0 : index
    %get3A_21 = arith.constant 0 : index
    %get3A_22 = vector.load %arg8[%get3A_20, %get3A_21] : memref<128x1xf32, #tpu.memory_space<vmem>>, vector<128x1xf32>
    %mul3A_23 = arith.mulf %get3A_22, %exp3A : vector<128x1xf32>
    %reduce_sum3A = arith.constant dense<0.000000e+00> : vector<128xf32>
    %reduce_sum3A_24 = vector.multi_reduction <add>, %exp3A_19, %reduce_sum3A [1] : vector<128x2048xf32> to vector<128xf32>
    %broadcast_in_dim3A_25 = vector.shape_cast %reduce_sum3A_24 : vector<128xf32> to vector<128x1xf32>
    %add3A_26 = arith.addf %mul3A_23, %broadcast_in_dim3A_25 : vector<128x1xf32>
    %swap3A = arith.constant 0 : index
    %swap3A_27 = arith.constant 0 : index
    %swap3A_28 = vector.load %arg8[%swap3A, %swap3A_27] : memref<128x1xf32, #tpu.memory_space<vmem>>, vector<128x1xf32>
    tpu.vector_store %arg8[%swap3A, %swap3A_27], %add3A_26 {strides = array<i32>} : memref<128x1xf32, #tpu.memory_space<vmem>>, vector<128x1xf32>,
    %get3A_29 = arith.constant 0 : index
    %get3A_30 = arith.constant 0 : index
    %get3A_31 = vector.load %arg9[%get3A_29, %get3A_30] : memref<128x1xf32, #tpu.memory_space<vmem>>, vector<128x1xf32>
    %mul3A_32 = arith.mulf %get3A_31, %exp3A : vector<128x1xf32>
    %mul3A_33 = arith.mulf %exp3A_19, %select_n3A : vector<128x2048xf32>
    %reduce_sum3A_34 = arith.constant dense<0.000000e+00> : vector<128xf32>
    %reduce_sum3A_35 = vector.multi_reduction <add>, %mul3A_33, %reduce_sum3A_34 [1] : vector<128x2048xf32> to vector<128xf32>
    %broadcast_in_dim3A_36 = vector.shape_cast %reduce_sum3A_35 : vector<128xf32> to vector<128x1xf32>
    %add3A_37 = arith.addf %mul3A_32, %broadcast_in_dim3A_36 : vector<128x1xf32>
    %swap3A_38 = arith.constant 0 : index
    %swap3A_39 = arith.constant 0 : index
    %swap3A_40 = vector.load %arg9[%swap3A_38, %swap3A_39] : memref<128x1xf32, #tpu.memory_space<vmem>>, vector<128x1xf32>
    tpu.vector_store %arg9[%swap3A_38, %swap3A_39], %add3A_37 {strides = array<i32>} : memref<128x1xf32, #tpu.memory_space<vmem>>, vector<128x1xf32>,
    %swap3A_41 = arith.constant 0 : index
    %swap3A_42 = arith.constant 0 : index
    %swap3A_43 = vector.load %arg7[%swap3A_41, %swap3A_42] : memref<128x1xf32, #tpu.memory_space<vmem>>, vector<128x1xf32>
    tpu.vector_store %arg7[%swap3A_41, %swap3A_42], %max3A {strides = array<i32>} : memref<128x1xf32, #tpu.memory_space<vmem>>, vector<128x1xf32>,
    %slice3A = vector.extract_strided_slice %select_n3A {offsets = [0, 0], sizes = [128, 128], strides = [1, 1]} : vector<128x2048xf32> to vector<128x128xf32>
    %slice3A_44 = vector.extract_strided_slice %select_n3A {offsets = [0, 128], sizes = [128, 128], strides = [1, 1]} : vector<128x2048xf32> to vector<128x128xf32>
    %slice3A_45 = vector.extract_strided_slice %select_n3A {offsets = [0, 256], sizes = [128, 128], strides = [1, 1]} : vector<128x2048xf32> to vector<128x128xf32>
    %slice3A_46 = vector.extract_strided_slice %select_n3A {offsets = [0, 384], sizes = [128, 128], strides = [1, 1]} : vector<128x2048xf32> to vector<128x128xf32>
    %slice3A_47 = vector.extract_strided_slice %select_n3A {offsets = [0, 512], sizes = [128, 128], strides = [1, 1]} : vector<128x2048xf32> to vector<128x128xf32>
    %slice3A_48 = vector.extract_strided_slice %select_n3A {offsets = [0, 640], sizes = [128, 128], strides = [1, 1]} : vector<128x2048xf32> to vector<128x128xf32>
    %slice3A_49 = vector.extract_strided_slice %select_n3A {offsets = [0, 768], sizes = [128, 128], strides = [1, 1]} : vector<128x2048xf32> to vector<128x128xf32>
    %slice3A_50 = vector.extract_strided_slice %select_n3A {offsets = [0, 896], sizes = [128, 128], strides = [1, 1]} : vector<128x2048xf32> to vector<128x128xf32>
    %slice3A_51 = vector.extract_strided_slice %select_n3A {offsets = [0, 1024], sizes = [128, 128], strides = [1, 1]} : vector<128x2048xf32> to vector<128x128xf32>
    %slice3A_52 = vector.extract_strided_slice %select_n3A {offsets = [0, 1152], sizes = [128, 128], strides = [1, 1]} : vector<128x2048xf32> to vector<128x128xf32>
    %slice3A_53 = vector.extract_strided_slice %select_n3A {offsets = [0, 1280], sizes = [128, 128], strides = [1, 1]} : vector<128x2048xf32> to vector<128x128xf32>
    %slice3A_54 = vector.extract_strided_slice %select_n3A {offsets = [0, 1408], sizes = [128, 128], strides = [1, 1]} : vector<128x2048xf32> to vector<128x128xf32>
    %slice3A_55 = vector.extract_strided_slice %select_n3A {offsets = [0, 1536], sizes = [128, 128], strides = [1, 1]} : vector<128x2048xf32> to vector<128x128xf32>
    %slice3A_56 = vector.extract_strided_slice %select_n3A {offsets = [0, 1664], sizes = [128, 128], strides = [1, 1]} : vector<128x2048xf32> to vector<128x128xf32>
    %slice3A_57 = vector.extract_strided_slice %select_n3A {offsets = [0, 1792], sizes = [128, 128], strides = [1, 1]} : vector<128x2048xf32> to vector<128x128xf32>
    %slice3A_58 = vector.extract_strided_slice %select_n3A {offsets = [0, 1920], sizes = [128, 128], strides = [1, 1]} : vector<128x2048xf32> to vector<128x128xf32>
    %max3A_59 = arith.maximumf %slice3A, %slice3A_44 : vector<128x128xf32>
    %max3A_60 = arith.maximumf %max3A_59, %slice3A_45 : vector<128x128xf32>
    %max3A_61 = arith.maximumf %max3A_60, %slice3A_46 : vector<128x128xf32>
    %max3A_62 = arith.maximumf %max3A_61, %slice3A_47 : vector<128x128xf32>
    %max3A_63 = arith.maximumf %max3A_62, %slice3A_48 : vector<128x128xf32>
    %max3A_64 = arith.maximumf %max3A_63, %slice3A_49 : vector<128x128xf32>
    %max3A_65 = arith.maximumf %max3A_64, %slice3A_50 : vector<128x128xf32>
    %max3A_66 = arith.maximumf %max3A_65, %slice3A_51 : vector<128x128xf32>
    %max3A_67 = arith.maximumf %max3A_66, %slice3A_52 : vector<128x128xf32>
    %max3A_68 = arith.maximumf %max3A_67, %slice3A_53 : vector<128x128xf32>
    %max3A_69 = arith.maximumf %max3A_68, %slice3A_54 : vector<128x128xf32>
    %max3A_70 = arith.maximumf %max3A_69, %slice3A_55 : vector<128x128xf32>
    %max3A_71 = arith.maximumf %max3A_70, %slice3A_56 : vector<128x128xf32>
    %max3A_72 = arith.maximumf %max3A_71, %slice3A_57 : vector<128x128xf32>
    %max3A_73 = arith.maximumf %max3A_72, %slice3A_58 : vector<128x128xf32>
    %broadcast_in_dim3A_74 = arith.constant 16 : i32
    %broadcast_in_dim3A_75 = vector.broadcast %broadcast_in_dim3A_74 : i32 to vector<128x128xi32>
    %eq3A_76 = arith.cmpf oeq, %slice3A_58, %max3A_73 : vector<128x128xf32>
    %jit3A_77 = arith.constant 15 : i32
    %broadcast_in_dim3A_78 = vector.broadcast %jit3A_77 : i32 to vector<128x128xi32>
    %select_n3A_79 = arith.select %eq3A_76, %broadcast_in_dim3A_78, %broadcast_in_dim3A_75 : vector<128x128xi1>, vector<128x128xi32>
    %eq3A_80 = arith.cmpf oeq, %slice3A_57, %max3A_73 : vector<128x128xf32>
    %jit3A_81 = arith.constant 14 : i32
    %broadcast_in_dim3A_82 = vector.broadcast %jit3A_81 : i32 to vector<128x128xi32>
    %select_n3A_83 = arith.select %eq3A_80, %broadcast_in_dim3A_82, %select_n3A_79 : vector<128x128xi1>, vector<128x128xi32>
    %eq3A_84 = arith.cmpf oeq, %slice3A_56, %max3A_73 : vector<128x128xf32>
    %jit3A_85 = arith.constant 13 : i32
    %broadcast_in_dim3A_86 = vector.broadcast %jit3A_85 : i32 to vector<128x128xi32>
    %select_n3A_87 = arith.select %eq3A_84, %broadcast_in_dim3A_86, %select_n3A_83 : vector<128x128xi1>, vector<128x128xi32>
    %eq3A_88 = arith.cmpf oeq, %slice3A_55, %max3A_73 : vector<128x128xf32>
    %jit3A_89 = arith.constant 12 : i32
    %broadcast_in_dim3A_90 = vector.broadcast %jit3A_89 : i32 to vector<128x128xi32>
    %select_n3A_91 = arith.select %eq3A_88, %broadcast_in_dim3A_90, %select_n3A_87 : vector<128x128xi1>, vector<128x128xi32>
    %eq3A_92 = arith.cmpf oeq, %slice3A_54, %max3A_73 : vector<128x128xf32>
    %jit3A_93 = arith.constant 11 : i32
    %broadcast_in_dim3A_94 = vector.broadcast %jit3A_93 : i32 to vector<128x128xi32>
    %select_n3A_95 = arith.select %eq3A_92, %broadcast_in_dim3A_94, %select_n3A_91 : vector<128x128xi1>, vector<128x128xi32>
    %eq3A_96 = arith.cmpf oeq, %slice3A_53, %max3A_73 : vector<128x128xf32>
    %jit3A_97 = arith.constant 10 : i32
    %broadcast_in_dim3A_98 = vector.broadcast %jit3A_97 : i32 to vector<128x128xi32>
    %select_n3A_99 = arith.select %eq3A_96, %broadcast_in_dim3A_98, %select_n3A_95 : vector<128x128xi1>, vector<128x128xi32>
    %eq3A_100 = arith.cmpf oeq, %slice3A_52, %max3A_73 : vector<128x128xf32>
    %jit3A_101 = arith.constant 9 : i32
    %broadcast_in_dim3A_102 = vector.broadcast %jit3A_101 : i32 to vector<128x128xi32>
    %select_n3A_103 = arith.select %eq3A_100, %broadcast_in_dim3A_102, %select_n3A_99 : vector<128x128xi1>, vector<128x128xi32>
    %eq3A_104 = arith.cmpf oeq, %slice3A_51, %max3A_73 : vector<128x128xf32>
    %jit3A_105 = arith.constant 8 : i32
    %broadcast_in_dim3A_106 = vector.broadcast %jit3A_105 : i32 to vector<128x128xi32>
    %select_n3A_107 = arith.select %eq3A_104, %broadcast_in_dim3A_106, %select_n3A_103 : vector<128x128xi1>, vector<128x128xi32>
    %eq3A_108 = arith.cmpf oeq, %slice3A_50, %max3A_73 : vector<128x128xf32>
    %jit3A_109 = arith.constant 7 : i32
    %broadcast_in_dim3A_110 = vector.broadcast %jit3A_109 : i32 to vector<128x128xi32>
    %select_n3A_111 = arith.select %eq3A_108, %broadcast_in_dim3A_110, %select_n3A_107 : vector<128x128xi1>, vector<128x128xi32>
    %eq3A_112 = arith.cmpf oeq, %slice3A_49, %max3A_73 : vector<128x128xf32>
    %jit3A_113 = arith.constant 6 : i32
    %broadcast_in_dim3A_114 = vector.broadcast %jit3A_113 : i32 to vector<128x128xi32>
    %select_n3A_115 = arith.select %eq3A_112, %broadcast_in_dim3A_114, %select_n3A_111 : vector<128x128xi1>, vector<128x128xi32>
    %eq3A_116 = arith.cmpf oeq, %slice3A_48, %max3A_73 : vector<128x128xf32>
    %jit3A_117 = arith.constant 5 : i32
    %broadcast_in_dim3A_118 = vector.broadcast %jit3A_117 : i32 to vector<128x128xi32>
    %select_n3A_119 = arith.select %eq3A_116, %broadcast_in_dim3A_118, %select_n3A_115 : vector<128x128xi1>, vector<128x128xi32>
    %eq3A_120 = arith.cmpf oeq, %slice3A_47, %max3A_73 : vector<128x128xf32>
    %jit3A_121 = arith.constant 4 : i32
    %broadcast_in_dim3A_122 = vector.broadcast %jit3A_121 : i32 to vector<128x128xi32>
    %select_n3A_123 = arith.select %eq3A_120, %broadcast_in_dim3A_122, %select_n3A_119 : vector<128x128xi1>, vector<128x128xi32>
    %eq3A_124 = arith.cmpf oeq, %slice3A_46, %max3A_73 : vector<128x128xf32>
    %jit3A_125 = arith.constant 3 : i32
    %broadcast_in_dim3A_126 = vector.broadcast %jit3A_125 : i32 to vector<128x128xi32>
    %select_n3A_127 = arith.select %eq3A_124, %broadcast_in_dim3A_126, %select_n3A_123 : vector<128x128xi1>, vector<128x128xi32>
    %eq3A_128 = arith.cmpf oeq, %slice3A_45, %max3A_73 : vector<128x128xf32>
    %jit3A_129 = arith.constant 2 : i32
    %broadcast_in_dim3A_130 = vector.broadcast %jit3A_129 : i32 to vector<128x128xi32>
    %select_n3A_131 = arith.select %eq3A_128, %broadcast_in_dim3A_130, %select_n3A_127 : vector<128x128xi1>, vector<128x128xi32>
    %eq3A_132 = arith.cmpf oeq, %slice3A_44, %max3A_73 : vector<128x128xf32>
    %jit3A_133 = arith.constant 1 : i32
    %broadcast_in_dim3A_134 = vector.broadcast %jit3A_133 : i32 to vector<128x128xi32>
    %select_n3A_135 = arith.select %eq3A_132, %broadcast_in_dim3A_134, %select_n3A_131 : vector<128x128xi1>, vector<128x128xi32>
    %eq3A_136 = arith.cmpf oeq, %slice3A, %max3A_73 : vector<128x128xf32>
    %jit3A_137 = arith.constant 0 : i32
    %broadcast_in_dim3A_138 = vector.broadcast %jit3A_137 : i32 to vector<128x128xi32>
    %select_n3A_139 = arith.select %eq3A_136, %broadcast_in_dim3A_138, %select_n3A_135 : vector<128x128xi1>, vector<128x128xi32>
    %broadcast_in_dim3A_140 = arith.constant -1.000000e+30 : f32
    %broadcast_in_dim3A_141 = vector.broadcast %broadcast_in_dim3A_140 : f32 to vector<128x128xf32>
    %eq3A_142 = arith.constant 0 : i32
    %eq3A_143 = vector.broadcast %eq3A_142 : i32 to vector<128x128xi32>
    %eq3A_144 = arith.cmpi eq, %select_n3A_139, %eq3A_143 : vector<128x128xi32>
    %jit3A_145 = arith.constant -1.000000e+30 : f32
    %broadcast_in_dim3A_146 = vector.broadcast %jit3A_145 : f32 to vector<128x128xf32>
    %select_n3A_147 = arith.select %eq3A_144, %broadcast_in_dim3A_146, %slice3A : vector<128x128xi1>, vector<128x128xf32>
    %max3A_148 = arith.maximumf %broadcast_in_dim3A_141, %select_n3A_147 : vector<128x128xf32>
    %eq3A_149 = arith.constant 1 : i32
    %eq3A_150 = vector.broadcast %eq3A_149 : i32 to vector<128x128xi32>
    %eq3A_151 = arith.cmpi eq, %select_n3A_139, %eq3A_150 : vector<128x128xi32>
    %jit3A_152 = arith.constant -1.000000e+30 : f32
    %broadcast_in_dim3A_153 = vector.broadcast %jit3A_152 : f32 to vector<128x128xf32>
    %select_n3A_154 = arith.select %eq3A_151, %broadcast_in_dim3A_153, %slice3A_44 : vector<128x128xi1>, vector<128x128xf32>
    %max3A_155 = arith.maximumf %max3A_148, %select_n3A_154 : vector<128x128xf32>
    %eq3A_156 = arith.constant 2 : i32
    %eq3A_157 = vector.broadcast %eq3A_156 : i32 to vector<128x128xi32>
    %eq3A_158 = arith.cmpi eq, %select_n3A_139, %eq3A_157 : vector<128x128xi32>
    %jit3A_159 = arith.constant -1.000000e+30 : f32
    %broadcast_in_dim3A_160 = vector.broadcast %jit3A_159 : f32 to vector<128x128xf32>
    %select_n3A_161 = arith.select %eq3A_158, %broadcast_in_dim3A_160, %slice3A_45 : vector<128x128xi1>, vector<128x128xf32>
    %max3A_162 = arith.maximumf %max3A_155, %select_n3A_161 : vector<128x128xf32>
    %eq3A_163 = arith.constant 3 : i32
    %eq3A_164 = vector.broadcast %eq3A_163 : i32 to vector<128x128xi32>
    %eq3A_165 = arith.cmpi eq, %select_n3A_139, %eq3A_164 : vector<128x128xi32>
    %jit3A_166 = arith.constant -1.000000e+30 : f32
    %broadcast_in_dim3A_167 = vector.broadcast %jit3A_166 : f32 to vector<128x128xf32>
    %select_n3A_168 = arith.select %eq3A_165, %broadcast_in_dim3A_167, %slice3A_46 : vector<128x128xi1>, vector<128x128xf32>
    %max3A_169 = arith.maximumf %max3A_162, %select_n3A_168 : vector<128x128xf32>
    %eq3A_170 = arith.constant 4 : i32
    %eq3A_171 = vector.broadcast %eq3A_170 : i32 to vector<128x128xi32>
    %eq3A_172 = arith.cmpi eq, %select_n3A_139, %eq3A_171 : vector<128x128xi32>
    %jit3A_173 = arith.constant -1.000000e+30 : f32
    %broadcast_in_dim3A_174 = vector.broadcast %jit3A_173 : f32 to vector<128x128xf32>
    %select_n3A_175 = arith.select %eq3A_172, %broadcast_in_dim3A_174, %slice3A_47 : vector<128x128xi1>, vector<128x128xf32>
    %max3A_176 = arith.maximumf %max3A_169, %select_n3A_175 : vector<128x128xf32>
    %eq3A_177 = arith.constant 5 : i32
    %eq3A_178 = vector.broadcast %eq3A_177 : i32 to vector<128x128xi32>
    %eq3A_179 = arith.cmpi eq, %select_n3A_139, %eq3A_178 : vector<128x128xi32>
    %jit3A_180 = arith.constant -1.000000e+30 : f32
    %broadcast_in_dim3A_181 = vector.broadcast %jit3A_180 : f32 to vector<128x128xf32>
    %select_n3A_182 = arith.select %eq3A_179, %broadcast_in_dim3A_181, %slice3A_48 : vector<128x128xi1>, vector<128x128xf32>
    %max3A_183 = arith.maximumf %max3A_176, %select_n3A_182 : vector<128x128xf32>
    %eq3A_184 = arith.constant 6 : i32
    %eq3A_185 = vector.broadcast %eq3A_184 : i32 to vector<128x128xi32>
    %eq3A_186 = arith.cmpi eq, %select_n3A_139, %eq3A_185 : vector<128x128xi32>
    %jit3A_187 = arith.constant -1.000000e+30 : f32
    %broadcast_in_dim3A_188 = vector.broadcast %jit3A_187 : f32 to vector<128x128xf32>
    %select_n3A_189 = arith.select %eq3A_186, %broadcast_in_dim3A_188, %slice3A_49 : vector<128x128xi1>, vector<128x128xf32>
    %max3A_190 = arith.maximumf %max3A_183, %select_n3A_189 : vector<128x128xf32>
    %eq3A_191 = arith.constant 7 : i32
    %eq3A_192 = vector.broadcast %eq3A_191 : i32 to vector<128x128xi32>
    %eq3A_193 = arith.cmpi eq, %select_n3A_139, %eq3A_192 : vector<128x128xi32>
    %jit3A_194 = arith.constant -1.000000e+30 : f32
    %broadcast_in_dim3A_195 = vector.broadcast %jit3A_194 : f32 to vector<128x128xf32>
    %select_n3A_196 = arith.select %eq3A_193, %broadcast_in_dim3A_195, %slice3A_50 : vector<128x128xi1>, vector<128x128xf32>
    %max3A_197 = arith.maximumf %max3A_190, %select_n3A_196 : vector<128x128xf32>
    %eq3A_198 = arith.constant 8 : i32
    %eq3A_199 = vector.broadcast %eq3A_198 : i32 to vector<128x128xi32>
    %eq3A_200 = arith.cmpi eq, %select_n3A_139, %eq3A_199 : vector<128x128xi32>
    %jit3A_201 = arith.constant -1.000000e+30 : f32
    %broadcast_in_dim3A_202 = vector.broadcast %jit3A_201 : f32 to vector<128x128xf32>
    %select_n3A_203 = arith.select %eq3A_200, %broadcast_in_dim3A_202, %slice3A_51 : vector<128x128xi1>, vector<128x128xf32>
    %max3A_204 = arith.maximumf %max3A_197, %select_n3A_203 : vector<128x128xf32>
    %eq3A_205 = arith.constant 9 : i32
    %eq3A_206 = vector.broadcast %eq3A_205 : i32 to vector<128x128xi32>
    %eq3A_207 = arith.cmpi eq, %select_n3A_139, %eq3A_206 : vector<128x128xi32>
    %jit3A_208 = arith.constant -1.000000e+30 : f32
    %broadcast_in_dim3A_209 = vector.broadcast %jit3A_208 : f32 to vector<128x128xf32>
    %select_n3A_210 = arith.select %eq3A_207, %broadcast_in_dim3A_209, %slice3A_52 : vector<128x128xi1>, vector<128x128xf32>
    %max3A_211 = arith.maximumf %max3A_204, %select_n3A_210 : vector<128x128xf32>
    %eq3A_212 = arith.constant 10 : i32
    %eq3A_213 = vector.broadcast %eq3A_212 : i32 to vector<128x128xi32>
    %eq3A_214 = arith.cmpi eq, %select_n3A_139, %eq3A_213 : vector<128x128xi32>
    %jit3A_215 = arith.constant -1.000000e+30 : f32
    %broadcast_in_dim3A_216 = vector.broadcast %jit3A_215 : f32 to vector<128x128xf32>
    %select_n3A_217 = arith.select %eq3A_214, %broadcast_in_dim3A_216, %slice3A_53 : vector<128x128xi1>, vector<128x128xf32>
    %max3A_218 = arith.maximumf %max3A_211, %select_n3A_217 : vector<128x128xf32>
    %eq3A_219 = arith.constant 11 : i32
    %eq3A_220 = vector.broadcast %eq3A_219 : i32 to vector<128x128xi32>
    %eq3A_221 = arith.cmpi eq, %select_n3A_139, %eq3A_220 : vector<128x128xi32>
    %jit3A_222 = arith.constant -1.000000e+30 : f32
    %broadcast_in_dim3A_223 = vector.broadcast %jit3A_222 : f32 to vector<128x128xf32>
    %select_n3A_224 = arith.select %eq3A_221, %broadcast_in_dim3A_223, %slice3A_54 : vector<128x128xi1>, vector<128x128xf32>
    %max3A_225 = arith.maximumf %max3A_218, %select_n3A_224 : vector<128x128xf32>
    %eq3A_226 = arith.constant 12 : i32
    %eq3A_227 = vector.broadcast %eq3A_226 : i32 to vector<128x128xi32>
    %eq3A_228 = arith.cmpi eq, %select_n3A_139, %eq3A_227 : vector<128x128xi32>
    %jit3A_229 = arith.constant -1.000000e+30 : f32
    %broadcast_in_dim3A_230 = vector.broadcast %jit3A_229 : f32 to vector<128x128xf32>
    %select_n3A_231 = arith.select %eq3A_228, %broadcast_in_dim3A_230, %slice3A_55 : vector<128x128xi1>, vector<128x128xf32>
    %max3A_232 = arith.maximumf %max3A_225, %select_n3A_231 : vector<128x128xf32>
    %eq3A_233 = arith.constant 13 : i32
    %eq3A_234 = vector.broadcast %eq3A_233 : i32 to vector<128x128xi32>
    %eq3A_235 = arith.cmpi eq, %select_n3A_139, %eq3A_234 : vector<128x128xi32>
    %jit3A_236 = arith.constant -1.000000e+30 : f32
    %broadcast_in_dim3A_237 = vector.broadcast %jit3A_236 : f32 to vector<128x128xf32>
    %select_n3A_238 = arith.select %eq3A_235, %broadcast_in_dim3A_237, %slice3A_56 : vector<128x128xi1>, vector<128x128xf32>
    %max3A_239 = arith.maximumf %max3A_232, %select_n3A_238 : vector<128x128xf32>
    %eq3A_240 = arith.constant 14 : i32
    %eq3A_241 = vector.broadcast %eq3A_240 : i32 to vector<128x128xi32>
    %eq3A_242 = arith.cmpi eq, %select_n3A_139, %eq3A_241 : vector<128x128xi32>
    %jit3A_243 = arith.constant -1.000000e+30 : f32
    %broadcast_in_dim3A_244 = vector.broadcast %jit3A_243 : f32 to vector<128x128xf32>
    %select_n3A_245 = arith.select %eq3A_242, %broadcast_in_dim3A_244, %slice3A_57 : vector<128x128xi1>, vector<128x128xf32>
    %max3A_246 = arith.maximumf %max3A_239, %select_n3A_245 : vector<128x128xf32>
    %eq3A_247 = arith.constant 15 : i32
    %eq3A_248 = vector.broadcast %eq3A_247 : i32 to vector<128x128xi32>
    %eq3A_249 = arith.cmpi eq, %select_n3A_139, %eq3A_248 : vector<128x128xi32>
    %jit3A_250 = arith.constant -1.000000e+30 : f32
    %broadcast_in_dim3A_251 = vector.broadcast %jit3A_250 : f32 to vector<128x128xf32>
    %select_n3A_252 = arith.select %eq3A_249, %broadcast_in_dim3A_251, %slice3A_58 : vector<128x128xi1>, vector<128x128xf32>
    %max3A_253 = arith.maximumf %max3A_246, %select_n3A_252 : vector<128x128xf32>
    %broadcast_in_dim3A_254 = arith.constant 16 : i32
    %broadcast_in_dim3A_255 = vector.broadcast %broadcast_in_dim3A_254 : i32 to vector<128x128xi32>
    %eq3A_256 = arith.cmpf oeq, %slice3A_58, %max3A_253 : vector<128x128xf32>
    %ne3A = arith.constant 15 : i32
    %ne3A_257 = vector.broadcast %ne3A : i32 to vector<128x128xi32>
    %ne3A_258 = arith.cmpi ne, %select_n3A_139, %ne3A_257 : vector<128x128xi32>
    %and3A = arith.andi %eq3A_256, %ne3A_258 : vector<128x128xi1>
    %jit3A_259 = arith.constant 15 : i32
    %broadcast_in_dim3A_260 = vector.broadcast %jit3A_259 : i32 to vector<128x128xi32>
    %select_n3A_261 = arith.select %and3A, %broadcast_in_dim3A_260, %broadcast_in_dim3A_255 : vector<128x128xi1>, vector<128x128xi32>
    %eq3A_262 = arith.cmpf oeq, %slice3A_57, %max3A_253 : vector<128x128xf32>
    %ne3A_263 = arith.constant 14 : i32
    %ne3A_264 = vector.broadcast %ne3A_263 : i32 to vector<128x128xi32>
    %ne3A_265 = arith.cmpi ne, %select_n3A_139, %ne3A_264 : vector<128x128xi32>
    %and3A_266 = arith.andi %eq3A_262, %ne3A_265 : vector<128x128xi1>
    %jit3A_267 = arith.constant 14 : i32
    %broadcast_in_dim3A_268 = vector.broadcast %jit3A_267 : i32 to vector<128x128xi32>
    %select_n3A_269 = arith.select %and3A_266, %broadcast_in_dim3A_268, %select_n3A_261 : vector<128x128xi1>, vector<128x128xi32>
    %eq3A_270 = arith.cmpf oeq, %slice3A_56, %max3A_253 : vector<128x128xf32>
    %ne3A_271 = arith.constant 13 : i32
    %ne3A_272 = vector.broadcast %ne3A_271 : i32 to vector<128x128xi32>
    %ne3A_273 = arith.cmpi ne, %select_n3A_139, %ne3A_272 : vector<128x128xi32>
    %and3A_274 = arith.andi %eq3A_270, %ne3A_273 : vector<128x128xi1>
    %jit3A_275 = arith.constant 13 : i32
    %broadcast_in_dim3A_276 = vector.broadcast %jit3A_275 : i32 to vector<128x128xi32>
    %select_n3A_277 = arith.select %and3A_274, %broadcast_in_dim3A_276, %select_n3A_269 : vector<128x128xi1>, vector<128x128xi32>
    %eq3A_278 = arith.cmpf oeq, %slice3A_55, %max3A_253 : vector<128x128xf32>
    %ne3A_279 = arith.constant 12 : i32
    %ne3A_280 = vector.broadcast %ne3A_279 : i32 to vector<128x128xi32>
    %ne3A_281 = arith.cmpi ne, %select_n3A_139, %ne3A_280 : vector<128x128xi32>
    %and3A_282 = arith.andi %eq3A_278, %ne3A_281 : vector<128x128xi1>
    %jit3A_283 = arith.constant 12 : i32
    %broadcast_in_dim3A_284 = vector.broadcast %jit3A_283 : i32 to vector<128x128xi32>
    %select_n3A_285 = arith.select %and3A_282, %broadcast_in_dim3A_284, %select_n3A_277 : vector<128x128xi1>, vector<128x128xi32>
    %eq3A_286 = arith.cmpf oeq, %slice3A_54, %max3A_253 : vector<128x128xf32>
    %ne3A_287 = arith.constant 11 : i32
    %ne3A_288 = vector.broadcast %ne3A_287 : i32 to vector<128x128xi32>
    %ne3A_289 = arith.cmpi ne, %select_n3A_139, %ne3A_288 : vector<128x128xi32>
    %and3A_290 = arith.andi %eq3A_286, %ne3A_289 : vector<128x128xi1>
    %jit3A_291 = arith.constant 11 : i32
    %broadcast_in_dim3A_292 = vector.broadcast %jit3A_291 : i32 to vector<128x128xi32>
    %select_n3A_293 = arith.select %and3A_290, %broadcast_in_dim3A_292, %select_n3A_285 : vector<128x128xi1>, vector<128x128xi32>
    %eq3A_294 = arith.cmpf oeq, %slice3A_53, %max3A_253 : vector<128x128xf32>
    %ne3A_295 = arith.constant 10 : i32
    %ne3A_296 = vector.broadcast %ne3A_295 : i32 to vector<128x128xi32>
    %ne3A_297 = arith.cmpi ne, %select_n3A_139, %ne3A_296 : vector<128x128xi32>
    %and3A_298 = arith.andi %eq3A_294, %ne3A_297 : vector<128x128xi1>
    %jit3A_299 = arith.constant 10 : i32
    %broadcast_in_dim3A_300 = vector.broadcast %jit3A_299 : i32 to vector<128x128xi32>
    %select_n3A_301 = arith.select %and3A_298, %broadcast_in_dim3A_300, %select_n3A_293 : vector<128x128xi1>, vector<128x128xi32>
    %eq3A_302 = arith.cmpf oeq, %slice3A_52, %max3A_253 : vector<128x128xf32>
    %ne3A_303 = arith.constant 9 : i32
    %ne3A_304 = vector.broadcast %ne3A_303 : i32 to vector<128x128xi32>
    %ne3A_305 = arith.cmpi ne, %select_n3A_139, %ne3A_304 : vector<128x128xi32>
    %and3A_306 = arith.andi %eq3A_302, %ne3A_305 : vector<128x128xi1>
    %jit3A_307 = arith.constant 9 : i32
    %broadcast_in_dim3A_308 = vector.broadcast %jit3A_307 : i32 to vector<128x128xi32>
    %select_n3A_309 = arith.select %and3A_306, %broadcast_in_dim3A_308, %select_n3A_301 : vector<128x128xi1>, vector<128x128xi32>
    %eq3A_310 = arith.cmpf oeq, %slice3A_51, %max3A_253 : vector<128x128xf32>
    %ne3A_311 = arith.constant 8 : i32
    %ne3A_312 = vector.broadcast %ne3A_311 : i32 to vector<128x128xi32>
    %ne3A_313 = arith.cmpi ne, %select_n3A_139, %ne3A_312 : vector<128x128xi32>
    %and3A_314 = arith.andi %eq3A_310, %ne3A_313 : vector<128x128xi1>
    %jit3A_315 = arith.constant 8 : i32
    %broadcast_in_dim3A_316 = vector.broadcast %jit3A_315 : i32 to vector<128x128xi32>
    %select_n3A_317 = arith.select %and3A_314, %broadcast_in_dim3A_316, %select_n3A_309 : vector<128x128xi1>, vector<128x128xi32>
    %eq3A_318 = arith.cmpf oeq, %slice3A_50, %max3A_253 : vector<128x128xf32>
    %ne3A_319 = arith.constant 7 : i32
    %ne3A_320 = vector.broadcast %ne3A_319 : i32 to vector<128x128xi32>
    %ne3A_321 = arith.cmpi ne, %select_n3A_139, %ne3A_320 : vector<128x128xi32>
    %and3A_322 = arith.andi %eq3A_318, %ne3A_321 : vector<128x128xi1>
    %jit3A_323 = arith.constant 7 : i32
    %broadcast_in_dim3A_324 = vector.broadcast %jit3A_323 : i32 to vector<128x128xi32>
    %select_n3A_325 = arith.select %and3A_322, %broadcast_in_dim3A_324, %select_n3A_317 : vector<128x128xi1>, vector<128x128xi32>
    %eq3A_326 = arith.cmpf oeq, %slice3A_49, %max3A_253 : vector<128x128xf32>
    %ne3A_327 = arith.constant 6 : i32
    %ne3A_328 = vector.broadcast %ne3A_327 : i32 to vector<128x128xi32>
    %ne3A_329 = arith.cmpi ne, %select_n3A_139, %ne3A_328 : vector<128x128xi32>
    %and3A_330 = arith.andi %eq3A_326, %ne3A_329 : vector<128x128xi1>
    %jit3A_331 = arith.constant 6 : i32
    %broadcast_in_dim3A_332 = vector.broadcast %jit3A_331 : i32 to vector<128x128xi32>
    %select_n3A_333 = arith.select %and3A_330, %broadcast_in_dim3A_332, %select_n3A_325 : vector<128x128xi1>, vector<128x128xi32>
    %eq3A_334 = arith.cmpf oeq, %slice3A_48, %max3A_253 : vector<128x128xf32>
    %ne3A_335 = arith.constant 5 : i32
    %ne3A_336 = vector.broadcast %ne3A_335 : i32 to vector<128x128xi32>
    %ne3A_337 = arith.cmpi ne, %select_n3A_139, %ne3A_336 : vector<128x128xi32>
    %and3A_338 = arith.andi %eq3A_334, %ne3A_337 : vector<128x128xi1>
    %jit3A_339 = arith.constant 5 : i32
    %broadcast_in_dim3A_340 = vector.broadcast %jit3A_339 : i32 to vector<128x128xi32>
    %select_n3A_341 = arith.select %and3A_338, %broadcast_in_dim3A_340, %select_n3A_333 : vector<128x128xi1>, vector<128x128xi32>
    %eq3A_342 = arith.cmpf oeq, %slice3A_47, %max3A_253 : vector<128x128xf32>
    %ne3A_343 = arith.constant 4 : i32
    %ne3A_344 = vector.broadcast %ne3A_343 : i32 to vector<128x128xi32>
    %ne3A_345 = arith.cmpi ne, %select_n3A_139, %ne3A_344 : vector<128x128xi32>
    %and3A_346 = arith.andi %eq3A_342, %ne3A_345 : vector<128x128xi1>
    %jit3A_347 = arith.constant 4 : i32
    %broadcast_in_dim3A_348 = vector.broadcast %jit3A_347 : i32 to vector<128x128xi32>
    %select_n3A_349 = arith.select %and3A_346, %broadcast_in_dim3A_348, %select_n3A_341 : vector<128x128xi1>, vector<128x128xi32>
    %eq3A_350 = arith.cmpf oeq, %slice3A_46, %max3A_253 : vector<128x128xf32>
    %ne3A_351 = arith.constant 3 : i32
    %ne3A_352 = vector.broadcast %ne3A_351 : i32 to vector<128x128xi32>
    %ne3A_353 = arith.cmpi ne, %select_n3A_139, %ne3A_352 : vector<128x128xi32>
    %and3A_354 = arith.andi %eq3A_350, %ne3A_353 : vector<128x128xi1>
    %jit3A_355 = arith.constant 3 : i32
    %broadcast_in_dim3A_356 = vector.broadcast %jit3A_355 : i32 to vector<128x128xi32>
    %select_n3A_357 = arith.select %and3A_354, %broadcast_in_dim3A_356, %select_n3A_349 : vector<128x128xi1>, vector<128x128xi32>
    %eq3A_358 = arith.cmpf oeq, %slice3A_45, %max3A_253 : vector<128x128xf32>
    %ne3A_359 = arith.constant 2 : i32
    %ne3A_360 = vector.broadcast %ne3A_359 : i32 to vector<128x128xi32>
    %ne3A_361 = arith.cmpi ne, %select_n3A_139, %ne3A_360 : vector<128x128xi32>
    %and3A_362 = arith.andi %eq3A_358, %ne3A_361 : vector<128x128xi1>
    %jit3A_363 = arith.constant 2 : i32
    %broadcast_in_dim3A_364 = vector.broadcast %jit3A_363 : i32 to vector<128x128xi32>
    %select_n3A_365 = arith.select %and3A_362, %broadcast_in_dim3A_364, %select_n3A_357 : vector<128x128xi1>, vector<128x128xi32>
    %eq3A_366 = arith.cmpf oeq, %slice3A_44, %max3A_253 : vector<128x128xf32>
    %ne3A_367 = arith.constant 1 : i32
    %ne3A_368 = vector.broadcast %ne3A_367 : i32 to vector<128x128xi32>
    %ne3A_369 = arith.cmpi ne, %select_n3A_139, %ne3A_368 : vector<128x128xi32>
    %and3A_370 = arith.andi %eq3A_366, %ne3A_369 : vector<128x128xi1>
    %jit3A_371 = arith.constant 1 : i32
    %broadcast_in_dim3A_372 = vector.broadcast %jit3A_371 : i32 to vector<128x128xi32>
    %select_n3A_373 = arith.select %and3A_370, %broadcast_in_dim3A_372, %select_n3A_365 : vector<128x128xi1>, vector<128x128xi32>
    %eq3A_374 = arith.cmpf oeq, %slice3A, %max3A_253 : vector<128x128xf32>
    %ne3A_375 = arith.constant 0 : i32
    %ne3A_376 = vector.broadcast %ne3A_375 : i32 to vector<128x128xi32>
    %ne3A_377 = arith.cmpi ne, %select_n3A_139, %ne3A_376 : vector<128x128xi32>
    %and3A_378 = arith.andi %eq3A_374, %ne3A_377 : vector<128x128xi1>
    %jit3A_379 = arith.constant 0 : i32
    %broadcast_in_dim3A_380 = vector.broadcast %jit3A_379 : i32 to vector<128x128xi32>
    %select_n3A_381 = arith.select %and3A_378, %broadcast_in_dim3A_380, %select_n3A_373 : vector<128x128xi1>, vector<128x128xi32>
    %iota3A_382 = tpu.iota {dimensions = array<i32: 1>} : vector<128x128xi32>
    %mul3A_383 = arith.constant 2048 : i32
    %mul3A_384 = arith.muli %arg0, %mul3A_383 : i32
    %mul3A_385 = arith.constant 128 : i32
    %mul3A_386 = vector.broadcast %mul3A_385 : i32 to vector<128x128xi32>
    %mul3A_387 = arith.muli %select_n3A_139, %mul3A_386 : vector<128x128xi32>
    %add3A_388 = vector.broadcast %mul3A_384 : i32 to vector<128x128xi32>
    %add3A_389 = arith.addi %add3A_388, %mul3A_387 : vector<128x128xi32>
    %add3A_390 = arith.addi %add3A_389, %iota3A_382 : vector<128x128xi32>
    %eq3A_391 = arith.constant 16 : i32
    %eq3A_392 = vector.broadcast %eq3A_391 : i32 to vector<128x128xi32>
    %eq3A_393 = arith.cmpi eq, %select_n3A_381, %eq3A_392 : vector<128x128xi32>
    %mul3A_394 = arith.constant 2048 : i32
    %mul3A_395 = arith.muli %arg0, %mul3A_394 : i32
    %mul3A_396 = arith.constant 128 : i32
    %mul3A_397 = vector.broadcast %mul3A_396 : i32 to vector<128x128xi32>
    %mul3A_398 = arith.muli %select_n3A_381, %mul3A_397 : vector<128x128xi32>
    %add3A_399 = vector.broadcast %mul3A_395 : i32 to vector<128x128xi32>
    %add3A_400 = arith.addi %add3A_399, %mul3A_398 : vector<128x128xi32>
    %add3A_401 = arith.addi %add3A_400, %iota3A_382 : vector<128x128xi32>
    %jit3A_402 = arith.constant 1073741824 : i32
    %broadcast_in_dim3A_403 = vector.broadcast %jit3A_402 : i32 to vector<128x128xi32>
    %select_n3A_404 = arith.select %eq3A_393, %broadcast_in_dim3A_403, %add3A_401 : vector<128x128xi1>, vector<128x128xi32>
    %concatenate3A = tpu.concatenate %max3A_73, %max3A_253 in 1 : vector<128x128xf32>, vector<128x128xf32> -> vector<128x256xf32>
    %concatenate3A_405 = tpu.concatenate %add3A_390, %select_n3A_404 in 1 : vector<128x128xi32>, vector<128x128xi32> -> vector<128x256xi32>
    %reduce_max3A_406 = arith.constant dense<0xFF800000> : vector<128xf32>
    %reduce_max3A_407 = vector.multi_reduction <maximumf>, %concatenate3A, %reduce_max3A_406 [1] : vector<128x256xf32> to vector<128xf32>
    %broadcast_in_dim3A_408 = vector.shape_cast %reduce_max3A_407 : vector<128xf32> to vector<128x1xf32>
    %eq3A_409 = vector.broadcast %broadcast_in_dim3A_408 : vector<128x1xf32> to vector<128x256xf32>
    %eq3A_410 = arith.cmpf oeq, %concatenate3A, %eq3A_409 : vector<128x256xf32>
    %jit3A_411 = arith.constant 1073741824 : i32
    %broadcast_in_dim3A_412 = vector.broadcast %jit3A_411 : i32 to vector<128x256xi32>
    %select_n3A_413 = arith.select %eq3A_410, %concatenate3A_405, %broadcast_in_dim3A_412 : vector<128x256xi1>, vector<128x256xi32>
    %reduce_min3A = arith.constant dense<2147483647> : vector<128xi32>
    %reduce_min3A_414 = vector.multi_reduction <minsi>, %select_n3A_413, %reduce_min3A [1] : vector<128x256xi32> to vector<128xi32>
    %broadcast_in_dim3A_415 = vector.shape_cast %reduce_min3A_414 : vector<128xi32> to vector<128x1xi32>
    %eq3A_416 = vector.broadcast %broadcast_in_dim3A_415 : vector<128x1xi32> to vector<128x256xi32>
    %eq3A_417 = arith.cmpi eq, %concatenate3A_405, %eq3A_416 : vector<128x256xi32>
    %jit3A_418 = arith.constant -1.000000e+30 : f32
    %broadcast_in_dim3A_419 = vector.broadcast %jit3A_418 : f32 to vector<128x256xf32>
    %select_n3A_420 = arith.select %eq3A_417, %broadcast_in_dim3A_419, %concatenate3A : vector<128x256xi1>, vector<128x256xf32>
    %reduce_max3A_421 = arith.constant dense<0xFF800000> : vector<128xf32>
    %reduce_max3A_422 = vector.multi_reduction <maximumf>, %select_n3A_420, %reduce_max3A_421 [1] : vector<128x256xf32> to vector<128xf32>
    %broadcast_in_dim3A_423 = vector.shape_cast %reduce_max3A_422 : vector<128xf32> to vector<128x1xf32>
    %eq3A_424 = vector.broadcast %broadcast_in_dim3A_423 : vector<128x1xf32> to vector<128x256xf32>
    %eq3A_425 = arith.cmpf oeq, %select_n3A_420, %eq3A_424 : vector<128x256xf32>
    %jit3A_426 = arith.constant 1073741824 : i32
    %broadcast_in_dim3A_427 = vector.broadcast %jit3A_426 : i32 to vector<128x256xi32>
    %select_n3A_428 = arith.select %eq3A_425, %concatenate3A_405, %broadcast_in_dim3A_427 : vector<128x256xi1>, vector<128x256xi32>
    %reduce_min3A_429 = arith.constant dense<2147483647> : vector<128xi32>
    %reduce_min3A_430 = vector.multi_reduction <minsi>, %select_n3A_428, %reduce_min3A_429 [1] : vector<128x256xi32> to vector<128xi32>
    %broadcast_in_dim3A_431 = vector.shape_cast %reduce_min3A_430 : vector<128xi32> to vector<128x1xi32>
    %eq3A_432 = vector.broadcast %broadcast_in_dim3A_431 : vector<128x1xi32> to vector<128x256xi32>
    %eq3A_433 = arith.cmpi eq, %concatenate3A_405, %eq3A_432 : vector<128x256xi32>
    %jit3A_434 = arith.constant -1.000000e+30 : f32
    %broadcast_in_dim3A_435 = vector.broadcast %jit3A_434 : f32 to vector<128x256xf32>
    %select_n3A_436 = arith.select %eq3A_433, %broadcast_in_dim3A_435, %select_n3A_420 : vector<128x256xi1>, vector<128x256xf32>
    %reduce_max3A_437 = arith.constant dense<0xFF800000> : vector<128xf32>
    %reduce_max3A_438 = vector.multi_reduction <maximumf>, %select_n3A_436, %reduce_max3A_437 [1] : vector<128x256xf32> to vector<128xf32>
    %broadcast_in_dim3A_439 = vector.shape_cast %reduce_max3A_438 : vector<128xf32> to vector<128x1xf32>
    %eq3A_440 = vector.broadcast %broadcast_in_dim3A_439 : vector<128x1xf32> to vector<128x256xf32>
    %eq3A_441 = arith.cmpf oeq, %select_n3A_436, %eq3A_440 : vector<128x256xf32>
    %jit3A_442 = arith.constant 1073741824 : i32
    %broadcast_in_dim3A_443 = vector.broadcast %jit3A_442 : i32 to vector<128x256xi32>
    %select_n3A_444 = arith.select %eq3A_441, %concatenate3A_405, %broadcast_in_dim3A_443 : vector<128x256xi1>, vector<128x256xi32>
    %reduce_min3A_445 = arith.constant dense<2147483647> : vector<128xi32>
    %reduce_min3A_446 = vector.multi_reduction <minsi>, %select_n3A_444, %reduce_min3A_445 [1] : vector<128x256xi32> to vector<128xi32>
    %broadcast_in_dim3A_447 = vector.shape_cast %reduce_min3A_446 : vector<128xi32> to vector<128x1xi32>
    %eq3A_448 = vector.broadcast %broadcast_in_dim3A_447 : vector<128x1xi32> to vector<128x256xi32>
    %eq3A_449 = arith.cmpi eq, %concatenate3A_405, %eq3A_448 : vector<128x256xi32>
    %jit3A_450 = arith.constant -1.000000e+30 : f32
    %broadcast_in_dim3A_451 = vector.broadcast %jit3A_450 : f32 to vector<128x256xf32>
    %select_n3A_452 = arith.select %eq3A_449, %broadcast_in_dim3A_451, %select_n3A_436 : vector<128x256xi1>, vector<128x256xf32>
    %reduce_max3A_453 = arith.constant dense<0xFF800000> : vector<128xf32>
    %reduce_max3A_454 = vector.multi_reduction <maximumf>, %select_n3A_452, %reduce_max3A_453 [1] : vector<128x256xf32> to vector<128xf32>
    %broadcast_in_dim3A_455 = vector.shape_cast %reduce_max3A_454 : vector<128xf32> to vector<128x1xf32>
    %eq3A_456 = vector.broadcast %broadcast_in_dim3A_455 : vector<128x1xf32> to vector<128x256xf32>
    %eq3A_457 = arith.cmpf oeq, %select_n3A_452, %eq3A_456 : vector<128x256xf32>
    %jit3A_458 = arith.constant 1073741824 : i32
    %broadcast_in_dim3A_459 = vector.broadcast %jit3A_458 : i32 to vector<128x256xi32>
    %select_n3A_460 = arith.select %eq3A_457, %concatenate3A_405, %broadcast_in_dim3A_459 : vector<128x256xi1>, vector<128x256xi32>
    %reduce_min3A_461 = arith.constant dense<2147483647> : vector<128xi32>
    %reduce_min3A_462 = vector.multi_reduction <minsi>, %select_n3A_460, %reduce_min3A_461 [1] : vector<128x256xi32> to vector<128xi32>
    %broadcast_in_dim3A_463 = vector.shape_cast %reduce_min3A_462 : vector<128xi32> to vector<128x1xi32>
    %eq3A_464 = vector.broadcast %broadcast_in_dim3A_463 : vector<128x1xi32> to vector<128x256xi32>
    %eq3A_465 = arith.cmpi eq, %concatenate3A_405, %eq3A_464 : vector<128x256xi32>
    %jit3A_466 = arith.constant -1.000000e+30 : f32
    %broadcast_in_dim3A_467 = vector.broadcast %jit3A_466 : f32 to vector<128x256xf32>
    %select_n3A_468 = arith.select %eq3A_465, %broadcast_in_dim3A_467, %select_n3A_452 : vector<128x256xi1>, vector<128x256xf32>
    %reduce_max3A_469 = arith.constant dense<0xFF800000> : vector<128xf32>
    %reduce_max3A_470 = vector.multi_reduction <maximumf>, %select_n3A_468, %reduce_max3A_469 [1] : vector<128x256xf32> to vector<128xf32>
    %broadcast_in_dim3A_471 = vector.shape_cast %reduce_max3A_470 : vector<128xf32> to vector<128x1xf32>
    %eq3A_472 = vector.broadcast %broadcast_in_dim3A_471 : vector<128x1xf32> to vector<128x256xf32>
    %eq3A_473 = arith.cmpf oeq, %select_n3A_468, %eq3A_472 : vector<128x256xf32>
    %jit3A_474 = arith.constant 1073741824 : i32
    %broadcast_in_dim3A_475 = vector.broadcast %jit3A_474 : i32 to vector<128x256xi32>
    %select_n3A_476 = arith.select %eq3A_473, %concatenate3A_405, %broadcast_in_dim3A_475 : vector<128x256xi1>, vector<128x256xi32>
    %reduce_min3A_477 = arith.constant dense<2147483647> : vector<128xi32>
    %reduce_min3A_478 = vector.multi_reduction <minsi>, %select_n3A_476, %reduce_min3A_477 [1] : vector<128x256xi32> to vector<128xi32>
    %broadcast_in_dim3A_479 = vector.shape_cast %reduce_min3A_478 : vector<128xi32> to vector<128x1xi32>
    %eq3A_480 = vector.broadcast %broadcast_in_dim3A_479 : vector<128x1xi32> to vector<128x256xi32>
    %eq3A_481 = arith.cmpi eq, %concatenate3A_405, %eq3A_480 : vector<128x256xi32>
    %jit3A_482 = arith.constant -1.000000e+30 : f32
    %broadcast_in_dim3A_483 = vector.broadcast %jit3A_482 : f32 to vector<128x256xf32>
    %select_n3A_484 = arith.select %eq3A_481, %broadcast_in_dim3A_483, %select_n3A_468 : vector<128x256xi1>, vector<128x256xf32>
    %reduce_max3A_485 = arith.constant dense<0xFF800000> : vector<128xf32>
    %reduce_max3A_486 = vector.multi_reduction <maximumf>, %select_n3A_484, %reduce_max3A_485 [1] : vector<128x256xf32> to vector<128xf32>
    %broadcast_in_dim3A_487 = vector.shape_cast %reduce_max3A_486 : vector<128xf32> to vector<128x1xf32>
    %eq3A_488 = vector.broadcast %broadcast_in_dim3A_487 : vector<128x1xf32> to vector<128x256xf32>
    %eq3A_489 = arith.cmpf oeq, %select_n3A_484, %eq3A_488 : vector<128x256xf32>
    %jit3A_490 = arith.constant 1073741824 : i32
    %broadcast_in_dim3A_491 = vector.broadcast %jit3A_490 : i32 to vector<128x256xi32>
    %select_n3A_492 = arith.select %eq3A_489, %concatenate3A_405, %broadcast_in_dim3A_491 : vector<128x256xi1>, vector<128x256xi32>
    %reduce_min3A_493 = arith.constant dense<2147483647> : vector<128xi32>
    %reduce_min3A_494 = vector.multi_reduction <minsi>, %select_n3A_492, %reduce_min3A_493 [1] : vector<128x256xi32> to vector<128xi32>
    %broadcast_in_dim3A_495 = vector.shape_cast %reduce_min3A_494 : vector<128xi32> to vector<128x1xi32>
    %eq3A_496 = vector.broadcast %broadcast_in_dim3A_495 : vector<128x1xi32> to vector<128x256xi32>
    %eq3A_497 = arith.cmpi eq, %concatenate3A_405, %eq3A_496 : vector<128x256xi32>
    %jit3A_498 = arith.constant -1.000000e+30 : f32
    %broadcast_in_dim3A_499 = vector.broadcast %jit3A_498 : f32 to vector<128x256xf32>
    %select_n3A_500 = arith.select %eq3A_497, %broadcast_in_dim3A_499, %select_n3A_484 : vector<128x256xi1>, vector<128x256xf32>
    %reduce_max3A_501 = arith.constant dense<0xFF800000> : vector<128xf32>
    %reduce_max3A_502 = vector.multi_reduction <maximumf>, %select_n3A_500, %reduce_max3A_501 [1] : vector<128x256xf32> to vector<128xf32>
    %broadcast_in_dim3A_503 = vector.shape_cast %reduce_max3A_502 : vector<128xf32> to vector<128x1xf32>
    %eq3A_504 = vector.broadcast %broadcast_in_dim3A_503 : vector<128x1xf32> to vector<128x256xf32>
    %eq3A_505 = arith.cmpf oeq, %select_n3A_500, %eq3A_504 : vector<128x256xf32>
    %jit3A_506 = arith.constant 1073741824 : i32
    %broadcast_in_dim3A_507 = vector.broadcast %jit3A_506 : i32 to vector<128x256xi32>
    %select_n3A_508 = arith.select %eq3A_505, %concatenate3A_405, %broadcast_in_dim3A_507 : vector<128x256xi1>, vector<128x256xi32>
    %reduce_min3A_509 = arith.constant dense<2147483647> : vector<128xi32>
    %reduce_min3A_510 = vector.multi_reduction <minsi>, %select_n3A_508, %reduce_min3A_509 [1] : vector<128x256xi32> to vector<128xi32>
    %broadcast_in_dim3A_511 = vector.shape_cast %reduce_min3A_510 : vector<128xi32> to vector<128x1xi32>
    %eq3A_512 = vector.broadcast %broadcast_in_dim3A_511 : vector<128x1xi32> to vector<128x256xi32>
    %eq3A_513 = arith.cmpi eq, %concatenate3A_405, %eq3A_512 : vector<128x256xi32>
    %jit3A_514 = arith.constant -1.000000e+30 : f32
    %broadcast_in_dim3A_515 = vector.broadcast %jit3A_514 : f32 to vector<128x256xf32>
    %select_n3A_516 = arith.select %eq3A_513, %broadcast_in_dim3A_515, %select_n3A_500 : vector<128x256xi1>, vector<128x256xf32>
    %reduce_max3A_517 = arith.constant dense<0xFF800000> : vector<128xf32>
    %reduce_max3A_518 = vector.multi_reduction <maximumf>, %select_n3A_516, %reduce_max3A_517 [1] : vector<128x256xf32> to vector<128xf32>
    %broadcast_in_dim3A_519 = vector.shape_cast %reduce_max3A_518 : vector<128xf32> to vector<128x1xf32>
    %eq3A_520 = vector.broadcast %broadcast_in_dim3A_519 : vector<128x1xf32> to vector<128x256xf32>
    %eq3A_521 = arith.cmpf oeq, %select_n3A_516, %eq3A_520 : vector<128x256xf32>
    %jit3A_522 = arith.constant 1073741824 : i32
    %broadcast_in_dim3A_523 = vector.broadcast %jit3A_522 : i32 to vector<128x256xi32>
    %select_n3A_524 = arith.select %eq3A_521, %concatenate3A_405, %broadcast_in_dim3A_523 : vector<128x256xi1>, vector<128x256xi32>
    %reduce_min3A_525 = arith.constant dense<2147483647> : vector<128xi32>
    %reduce_min3A_526 = vector.multi_reduction <minsi>, %select_n3A_524, %reduce_min3A_525 [1] : vector<128x256xi32> to vector<128xi32>
    %broadcast_in_dim3A_527 = vector.shape_cast %reduce_min3A_526 : vector<128xi32> to vector<128x1xi32>
    %concatenate3A_528 = tpu.concatenate %broadcast_in_dim3A_408, %broadcast_in_dim3A_423, %broadcast_in_dim3A_439, %broadcast_in_dim3A_455, %broadcast_in_dim3A_471, %broadcast_in_dim3A_487, %broadcast_in_dim3A_503, %broadcast_in_dim3A_519 in 1 : vector<128x1xf32>, vector<128x1xf32>, vector<128x1xf32>, vector<128x1xf32>, vector<128x1xf32>, vector<128x1xf32>, vector<128x1xf32>, vector<128x1xf32> -> vector<128x8xf32>
    %concatenate3A_529 = tpu.concatenate %broadcast_in_dim3A_415, %broadcast_in_dim3A_431, %broadcast_in_dim3A_447, %broadcast_in_dim3A_463, %broadcast_in_dim3A_479, %broadcast_in_dim3A_495, %broadcast_in_dim3A_511, %broadcast_in_dim3A_527 in 1 : vector<128x1xi32>, vector<128x1xi32>, vector<128x1xi32>, vector<128x1xi32>, vector<128x1xi32>, vector<128x1xi32>, vector<128x1xi32>, vector<128x1xi32> -> vector<128x8xi32>
    %get3A_530 = arith.constant 0 : index
    %get3A_531 = arith.constant 0 : index
    %get3A_532 = vector.load %arg10[%get3A_530, %get3A_531] : memref<128x8xf32, #tpu.memory_space<vmem>>, vector<128x8xf32>
    %concatenate3A_533 = tpu.concatenate %get3A_532, %concatenate3A_528 in 1 : vector<128x8xf32>, vector<128x8xf32> -> vector<128x16xf32>
    %get3A_534 = arith.constant 0 : index
    %get3A_535 = arith.constant 0 : index
    %get3A_536 = vector.load %arg11[%get3A_534, %get3A_535] : memref<128x8xi32, #tpu.memory_space<vmem>>, vector<128x8xi32>
    %concatenate3A_537 = tpu.concatenate %get3A_536, %concatenate3A_529 in 1 : vector<128x8xi32>, vector<128x8xi32> -> vector<128x16xi32>
    %reduce_max3A_538 = arith.constant dense<0xFF800000> : vector<128xf32>
    %reduce_max3A_539 = vector.multi_reduction <maximumf>, %concatenate3A_533, %reduce_max3A_538 [1] : vector<128x16xf32> to vector<128xf32>
    %broadcast_in_dim3A_540 = vector.shape_cast %reduce_max3A_539 : vector<128xf32> to vector<128x1xf32>
    %eq3A_541 = vector.broadcast %broadcast_in_dim3A_540 : vector<128x1xf32> to vector<128x16xf32>
    %eq3A_542 = arith.cmpf oeq, %concatenate3A_533, %eq3A_541 : vector<128x16xf32>
    %jit3A_543 = arith.constant 1073741824 : i32
    %broadcast_in_dim3A_544 = vector.broadcast %jit3A_543 : i32 to vector<128x16xi32>
    %select_n3A_545 = arith.select %eq3A_542, %concatenate3A_537, %broadcast_in_dim3A_544 : vector<128x16xi1>, vector<128x16xi32>
    %reduce_min3A_546 = arith.constant dense<2147483647> : vector<128xi32>
    %reduce_min3A_547 = vector.multi_reduction <minsi>, %select_n3A_545, %reduce_min3A_546 [1] : vector<128x16xi32> to vector<128xi32>
    %broadcast_in_dim3A_548 = vector.shape_cast %reduce_min3A_547 : vector<128xi32> to vector<128x1xi32>
    %eq3A_549 = vector.broadcast %broadcast_in_dim3A_548 : vector<128x1xi32> to vector<128x16xi32>
    %eq3A_550 = arith.cmpi eq, %concatenate3A_537, %eq3A_549 : vector<128x16xi32>
    %jit3A_551 = arith.constant -1.000000e+30 : f32
    %broadcast_in_dim3A_552 = vector.broadcast %jit3A_551 : f32 to vector<128x16xf32>
    %select_n3A_553 = arith.select %eq3A_550, %broadcast_in_dim3A_552, %concatenate3A_533 : vector<128x16xi1>, vector<128x16xf32>
    %reduce_max3A_554 = arith.constant dense<0xFF800000> : vector<128xf32>
    %reduce_max3A_555 = vector.multi_reduction <maximumf>, %select_n3A_553, %reduce_max3A_554 [1] : vector<128x16xf32> to vector<128xf32>
    %broadcast_in_dim3A_556 = vector.shape_cast %reduce_max3A_555 : vector<128xf32> to vector<128x1xf32>
    %eq3A_557 = vector.broadcast %broadcast_in_dim3A_556 : vector<128x1xf32> to vector<128x16xf32>
    %eq3A_558 = arith.cmpf oeq, %select_n3A_553, %eq3A_557 : vector<128x16xf32>
    %jit3A_559 = arith.constant 1073741824 : i32
    %broadcast_in_dim3A_560 = vector.broadcast %jit3A_559 : i32 to vector<128x16xi32>
    %select_n3A_561 = arith.select %eq3A_558, %concatenate3A_537, %broadcast_in_dim3A_560 : vector<128x16xi1>, vector<128x16xi32>
    %reduce_min3A_562 = arith.constant dense<2147483647> : vector<128xi32>
    %reduce_min3A_563 = vector.multi_reduction <minsi>, %select_n3A_561, %reduce_min3A_562 [1] : vector<128x16xi32> to vector<128xi32>
    %broadcast_in_dim3A_564 = vector.shape_cast %reduce_min3A_563 : vector<128xi32> to vector<128x1xi32>
    %eq3A_565 = vector.broadcast %broadcast_in_dim3A_564 : vector<128x1xi32> to vector<128x16xi32>
    %eq3A_566 = arith.cmpi eq, %concatenate3A_537, %eq3A_565 : vector<128x16xi32>
    %jit3A_567 = arith.constant -1.000000e+30 : f32
    %broadcast_in_dim3A_568 = vector.broadcast %jit3A_567 : f32 to vector<128x16xf32>
    %select_n3A_569 = arith.select %eq3A_566, %broadcast_in_dim3A_568, %select_n3A_553 : vector<128x16xi1>, vector<128x16xf32>
    %reduce_max3A_570 = arith.constant dense<0xFF800000> : vector<128xf32>
    %reduce_max3A_571 = vector.multi_reduction <maximumf>, %select_n3A_569, %reduce_max3A_570 [1] : vector<128x16xf32> to vector<128xf32>
    %broadcast_in_dim3A_572 = vector.shape_cast %reduce_max3A_571 : vector<128xf32> to vector<128x1xf32>
    %eq3A_573 = vector.broadcast %broadcast_in_dim3A_572 : vector<128x1xf32> to vector<128x16xf32>
    %eq3A_574 = arith.cmpf oeq, %select_n3A_569, %eq3A_573 : vector<128x16xf32>
    %jit3A_575 = arith.constant 1073741824 : i32
    %broadcast_in_dim3A_576 = vector.broadcast %jit3A_575 : i32 to vector<128x16xi32>
    %select_n3A_577 = arith.select %eq3A_574, %concatenate3A_537, %broadcast_in_dim3A_576 : vector<128x16xi1>, vector<128x16xi32>
    %reduce_min3A_578 = arith.constant dense<2147483647> : vector<128xi32>
    %reduce_min3A_579 = vector.multi_reduction <minsi>, %select_n3A_577, %reduce_min3A_578 [1] : vector<128x16xi32> to vector<128xi32>
    %broadcast_in_dim3A_580 = vector.shape_cast %reduce_min3A_579 : vector<128xi32> to vector<128x1xi32>
    %eq3A_581 = vector.broadcast %broadcast_in_dim3A_580 : vector<128x1xi32> to vector<128x16xi32>
    %eq3A_582 = arith.cmpi eq, %concatenate3A_537, %eq3A_581 : vector<128x16xi32>
    %jit3A_583 = arith.constant -1.000000e+30 : f32
    %broadcast_in_dim3A_584 = vector.broadcast %jit3A_583 : f32 to vector<128x16xf32>
    %select_n3A_585 = arith.select %eq3A_582, %broadcast_in_dim3A_584, %select_n3A_569 : vector<128x16xi1>, vector<128x16xf32>
    %reduce_max3A_586 = arith.constant dense<0xFF800000> : vector<128xf32>
    %reduce_max3A_587 = vector.multi_reduction <maximumf>, %select_n3A_585, %reduce_max3A_586 [1] : vector<128x16xf32> to vector<128xf32>
    %broadcast_in_dim3A_588 = vector.shape_cast %reduce_max3A_587 : vector<128xf32> to vector<128x1xf32>
    %eq3A_589 = vector.broadcast %broadcast_in_dim3A_588 : vector<128x1xf32> to vector<128x16xf32>
    %eq3A_590 = arith.cmpf oeq, %select_n3A_585, %eq3A_589 : vector<128x16xf32>
    %jit3A_591 = arith.constant 1073741824 : i32
    %broadcast_in_dim3A_592 = vector.broadcast %jit3A_591 : i32 to vector<128x16xi32>
    %select_n3A_593 = arith.select %eq3A_590, %concatenate3A_537, %broadcast_in_dim3A_592 : vector<128x16xi1>, vector<128x16xi32>
    %reduce_min3A_594 = arith.constant dense<2147483647> : vector<128xi32>
    %reduce_min3A_595 = vector.multi_reduction <minsi>, %select_n3A_593, %reduce_min3A_594 [1] : vector<128x16xi32> to vector<128xi32>
    %broadcast_in_dim3A_596 = vector.shape_cast %reduce_min3A_595 : vector<128xi32> to vector<128x1xi32>
    %eq3A_597 = vector.broadcast %broadcast_in_dim3A_596 : vector<128x1xi32> to vector<128x16xi32>
    %eq3A_598 = arith.cmpi eq, %concatenate3A_537, %eq3A_597 : vector<128x16xi32>
    %jit3A_599 = arith.constant -1.000000e+30 : f32
    %broadcast_in_dim3A_600 = vector.broadcast %jit3A_599 : f32 to vector<128x16xf32>
    %select_n3A_601 = arith.select %eq3A_598, %broadcast_in_dim3A_600, %select_n3A_585 : vector<128x16xi1>, vector<128x16xf32>
    %reduce_max3A_602 = arith.constant dense<0xFF800000> : vector<128xf32>
    %reduce_max3A_603 = vector.multi_reduction <maximumf>, %select_n3A_601, %reduce_max3A_602 [1] : vector<128x16xf32> to vector<128xf32>
    %broadcast_in_dim3A_604 = vector.shape_cast %reduce_max3A_603 : vector<128xf32> to vector<128x1xf32>
    %eq3A_605 = vector.broadcast %broadcast_in_dim3A_604 : vector<128x1xf32> to vector<128x16xf32>
    %eq3A_606 = arith.cmpf oeq, %select_n3A_601, %eq3A_605 : vector<128x16xf32>
    %jit3A_607 = arith.constant 1073741824 : i32
    %broadcast_in_dim3A_608 = vector.broadcast %jit3A_607 : i32 to vector<128x16xi32>
    %select_n3A_609 = arith.select %eq3A_606, %concatenate3A_537, %broadcast_in_dim3A_608 : vector<128x16xi1>, vector<128x16xi32>
    %reduce_min3A_610 = arith.constant dense<2147483647> : vector<128xi32>
    %reduce_min3A_611 = vector.multi_reduction <minsi>, %select_n3A_609, %reduce_min3A_610 [1] : vector<128x16xi32> to vector<128xi32>
    %broadcast_in_dim3A_612 = vector.shape_cast %reduce_min3A_611 : vector<128xi32> to vector<128x1xi32>
    %eq3A_613 = vector.broadcast %broadcast_in_dim3A_612 : vector<128x1xi32> to vector<128x16xi32>
    %eq3A_614 = arith.cmpi eq, %concatenate3A_537, %eq3A_613 : vector<128x16xi32>
    %jit3A_615 = arith.constant -1.000000e+30 : f32
    %broadcast_in_dim3A_616 = vector.broadcast %jit3A_615 : f32 to vector<128x16xf32>
    %select_n3A_617 = arith.select %eq3A_614, %broadcast_in_dim3A_616, %select_n3A_601 : vector<128x16xi1>, vector<128x16xf32>
    %reduce_max3A_618 = arith.constant dense<0xFF800000> : vector<128xf32>
    %reduce_max3A_619 = vector.multi_reduction <maximumf>, %select_n3A_617, %reduce_max3A_618 [1] : vector<128x16xf32> to vector<128xf32>
    %broadcast_in_dim3A_620 = vector.shape_cast %reduce_max3A_619 : vector<128xf32> to vector<128x1xf32>
    %eq3A_621 = vector.broadcast %broadcast_in_dim3A_620 : vector<128x1xf32> to vector<128x16xf32>
    %eq3A_622 = arith.cmpf oeq, %select_n3A_617, %eq3A_621 : vector<128x16xf32>
    %jit3A_623 = arith.constant 1073741824 : i32
    %broadcast_in_dim3A_624 = vector.broadcast %jit3A_623 : i32 to vector<128x16xi32>
    %select_n3A_625 = arith.select %eq3A_622, %concatenate3A_537, %broadcast_in_dim3A_624 : vector<128x16xi1>, vector<128x16xi32>
    %reduce_min3A_626 = arith.constant dense<2147483647> : vector<128xi32>
    %reduce_min3A_627 = vector.multi_reduction <minsi>, %select_n3A_625, %reduce_min3A_626 [1] : vector<128x16xi32> to vector<128xi32>
    %broadcast_in_dim3A_628 = vector.shape_cast %reduce_min3A_627 : vector<128xi32> to vector<128x1xi32>
    %eq3A_629 = vector.broadcast %broadcast_in_dim3A_628 : vector<128x1xi32> to vector<128x16xi32>
    %eq3A_630 = arith.cmpi eq, %concatenate3A_537, %eq3A_629 : vector<128x16xi32>
    %jit3A_631 = arith.constant -1.000000e+30 : f32
    %broadcast_in_dim3A_632 = vector.broadcast %jit3A_631 : f32 to vector<128x16xf32>
    %select_n3A_633 = arith.select %eq3A_630, %broadcast_in_dim3A_632, %select_n3A_617 : vector<128x16xi1>, vector<128x16xf32>
    %reduce_max3A_634 = arith.constant dense<0xFF800000> : vector<128xf32>
    %reduce_max3A_635 = vector.multi_reduction <maximumf>, %select_n3A_633, %reduce_max3A_634 [1] : vector<128x16xf32> to vector<128xf32>
    %broadcast_in_dim3A_636 = vector.shape_cast %reduce_max3A_635 : vector<128xf32> to vector<128x1xf32>
    %eq3A_637 = vector.broadcast %broadcast_in_dim3A_636 : vector<128x1xf32> to vector<128x16xf32>
    %eq3A_638 = arith.cmpf oeq, %select_n3A_633, %eq3A_637 : vector<128x16xf32>
    %jit3A_639 = arith.constant 1073741824 : i32
    %broadcast_in_dim3A_640 = vector.broadcast %jit3A_639 : i32 to vector<128x16xi32>
    %select_n3A_641 = arith.select %eq3A_638, %concatenate3A_537, %broadcast_in_dim3A_640 : vector<128x16xi1>, vector<128x16xi32>
    %reduce_min3A_642 = arith.constant dense<2147483647> : vector<128xi32>
    %reduce_min3A_643 = vector.multi_reduction <minsi>, %select_n3A_641, %reduce_min3A_642 [1] : vector<128x16xi32> to vector<128xi32>
    %broadcast_in_dim3A_644 = vector.shape_cast %reduce_min3A_643 : vector<128xi32> to vector<128x1xi32>
    %eq3A_645 = vector.broadcast %broadcast_in_dim3A_644 : vector<128x1xi32> to vector<128x16xi32>
    %eq3A_646 = arith.cmpi eq, %concatenate3A_537, %eq3A_645 : vector<128x16xi32>
    %jit3A_647 = arith.constant -1.000000e+30 : f32
    %broadcast_in_dim3A_648 = vector.broadcast %jit3A_647 : f32 to vector<128x16xf32>
    %select_n3A_649 = arith.select %eq3A_646, %broadcast_in_dim3A_648, %select_n3A_633 : vector<128x16xi1>, vector<128x16xf32>
    %reduce_max3A_650 = arith.constant dense<0xFF800000> : vector<128xf32>
    %reduce_max3A_651 = vector.multi_reduction <maximumf>, %select_n3A_649, %reduce_max3A_650 [1] : vector<128x16xf32> to vector<128xf32>
    %broadcast_in_dim3A_652 = vector.shape_cast %reduce_max3A_651 : vector<128xf32> to vector<128x1xf32>
    %eq3A_653 = vector.broadcast %broadcast_in_dim3A_652 : vector<128x1xf32> to vector<128x16xf32>
    %eq3A_654 = arith.cmpf oeq, %select_n3A_649, %eq3A_653 : vector<128x16xf32>
    %jit3A_655 = arith.constant 1073741824 : i32
    %broadcast_in_dim3A_656 = vector.broadcast %jit3A_655 : i32 to vector<128x16xi32>
    %select_n3A_657 = arith.select %eq3A_654, %concatenate3A_537, %broadcast_in_dim3A_656 : vector<128x16xi1>, vector<128x16xi32>
    %reduce_min3A_658 = arith.constant dense<2147483647> : vector<128xi32>
    %reduce_min3A_659 = vector.multi_reduction <minsi>, %select_n3A_657, %reduce_min3A_658 [1] : vector<128x16xi32> to vector<128xi32>
    %broadcast_in_dim3A_660 = vector.shape_cast %reduce_min3A_659 : vector<128xi32> to vector<128x1xi32>
    %concatenate3A_661 = tpu.concatenate %broadcast_in_dim3A_540, %broadcast_in_dim3A_556, %broadcast_in_dim3A_572, %broadcast_in_dim3A_588, %broadcast_in_dim3A_604, %broadcast_in_dim3A_620, %broadcast_in_dim3A_636, %broadcast_in_dim3A_652 in 1 : vector<128x1xf32>, vector<128x1xf32>, vector<128x1xf32>, vector<128x1xf32>, vector<128x1xf32>, vector<128x1xf32>, vector<128x1xf32>, vector<128x1xf32> -> vector<128x8xf32>
    %concatenate3A_662 = tpu.concatenate %broadcast_in_dim3A_548, %broadcast_in_dim3A_564, %broadcast_in_dim3A_580, %broadcast_in_dim3A_596, %broadcast_in_dim3A_612, %broadcast_in_dim3A_628, %broadcast_in_dim3A_644, %broadcast_in_dim3A_660 in 1 : vector<128x1xi32>, vector<128x1xi32>, vector<128x1xi32>, vector<128x1xi32>, vector<128x1xi32>, vector<128x1xi32>, vector<128x1xi32>, vector<128x1xi32> -> vector<128x8xi32>
    %swap3A_663 = arith.constant 0 : index
    %swap3A_664 = arith.constant 0 : index
    %swap3A_665 = vector.load %arg10[%swap3A_663, %swap3A_664] : memref<128x8xf32, #tpu.memory_space<vmem>>, vector<128x8xf32>
    tpu.vector_store %arg10[%swap3A_663, %swap3A_664], %concatenate3A_661 {strides = array<i32>} : memref<128x8xf32, #tpu.memory_space<vmem>>, vector<128x8xf32>,
    %swap3A_666 = arith.constant 0 : index
    %swap3A_667 = arith.constant 0 : index
    %swap3A_668 = vector.load %arg11[%swap3A_666, %swap3A_667] : memref<128x8xi32, #tpu.memory_space<vmem>>, vector<128x8xi32>
    tpu.vector_store %arg11[%swap3A_666, %swap3A_667], %concatenate3A_662 {strides = array<i32>} : memref<128x8xi32, #tpu.memory_space<vmem>>, vector<128x8xi32>,
    %eq3A_669 = arith.constant 48 : i32
    %eq3A_670 = arith.cmpi eq, %arg0, %eq3A_669 : i32
    %convert_element_type3A_671 = arith.extui %eq3A_670 : i1 to i32
    %cond3A_672 = arith.constant 0 : i32
    %cond3A_673 = arith.cmpi ne, %convert_element_type3A_671, %cond3A_672 : i32
    scf.if %cond3A_673 {
      %get3A_674 = arith.constant 0 : index
      %get3A_675 = arith.constant 0 : index
      %get3A_676 = vector.load %arg7[%get3A_674, %get3A_675] : memref<128x1xf32, #tpu.memory_space<vmem>>, vector<128x1xf32>
      %get3A_677 = arith.constant 0 : index
      %get3A_678 = arith.constant 0 : index
      %get3A_679 = vector.load %arg8[%get3A_677, %get3A_678] : memref<128x1xf32, #tpu.memory_space<vmem>>, vector<128x1xf32>
      %log3A = math.log %get3A_679 : vector<128x1xf32>
      %add3A_680 = arith.addf %get3A_676, %log3A : vector<128x1xf32>
      %swap3A_681 = arith.constant 0 : index
      %swap3A_682 = arith.constant 0 : index
      %swap3A_683 = vector.load %arg5[%swap3A_681, %swap3A_682] : memref<128x1xf32, #tpu.memory_space<vmem>>, vector<128x1xf32>
      tpu.vector_store %arg5[%swap3A_681, %swap3A_682], %add3A_680 {strides = array<i32>} : memref<128x1xf32, #tpu.memory_space<vmem>>, vector<128x1xf32>,
      %get3A_684 = arith.constant 0 : index
      %get3A_685 = arith.constant 0 : index
      %get3A_686 = vector.load %arg9[%get3A_684, %get3A_685] : memref<128x1xf32, #tpu.memory_space<vmem>>, vector<128x1xf32>
      %get3A_687 = arith.constant 0 : index
      %get3A_688 = arith.constant 0 : index
      %get3A_689 = vector.load %arg8[%get3A_687, %get3A_688] : memref<128x1xf32, #tpu.memory_space<vmem>>, vector<128x1xf32>
      %div3A = arith.divf %get3A_686, %get3A_689 : vector<128x1xf32>
      %sub3A_690 = arith.subf %add3A_680, %div3A : vector<128x1xf32>
      %swap3A_691 = arith.constant 0 : index
      %swap3A_692 = arith.constant 0 : index
      %swap3A_693 = vector.load %arg6[%swap3A_691, %swap3A_692] : memref<128x1xf32, #tpu.memory_space<vmem>>, vector<128x1xf32>
      tpu.vector_store %arg6[%swap3A_691, %swap3A_692], %sub3A_690 {strides = array<i32>} : memref<128x1xf32, #tpu.memory_space<vmem>>, vector<128x1xf32>,
      %get3A_694 = arith.constant 0 : index
      %get3A_695 = arith.constant 0 : index
      %get3A_696 = vector.load %arg10[%get3A_694, %get3A_695] : memref<128x8xf32, #tpu.memory_space<vmem>>, vector<128x8xf32>
      %swap3A_697 = arith.constant 0 : index
      %swap3A_698 = arith.constant 0 : index
      %swap3A_699 = vector.load %arg3[%swap3A_697, %swap3A_698] : memref<128x8xf32, #tpu.memory_space<vmem>>, vector<128x8xf32>
      tpu.vector_store %arg3[%swap3A_697, %swap3A_698], %get3A_696 {strides = array<i32>} : memref<128x8xf32, #tpu.memory_space<vmem>>, vector<128x8xf32>,
      %get3A_700 = arith.constant 0 : index
      %get3A_701 = arith.constant 0 : index
      %get3A_702 = vector.load %arg11[%get3A_700, %get3A_701] : memref<128x8xi32, #tpu.memory_space<vmem>>, vector<128x8xi32>
      %swap3A_703 = arith.constant 0 : index
      %swap3A_704 = arith.constant 0 : index
      %swap3A_705 = vector.load %arg4[%swap3A_703, %swap3A_704] : memref<128x8xi32, #tpu.memory_space<vmem>>, vector<128x8xi32>
      tpu.vector_store %arg4[%swap3A_703, %swap3A_704], %get3A_702 {strides = array<i32>} : memref<128x8xi32, #tpu.memory_space<vmem>>, vector<128x8xi32>,
    } else {
    }
    return
  }
  func.func @transform_0(%arg0: i32) -> (i32, i32) {
    %c0_i32 = arith.constant 0 : i32
    %c0_i32_0 = arith.constant 0 : i32
    %c0_i32_1 = arith.constant 0 : i32
    return %c0_i32, %c0_i32_0 : i32, i32
  }
  func.func @transform_1(%arg0: i32) -> (i32, i32) {
    %c0_i32 = arith.constant 0 : i32
    %c0_i32_0 = arith.constant 0 : i32
    return %c0_i32, %arg0 : i32, i32
  }
  func.func @transform_2(%arg0: i32) -> (i32, i32) {
    %c0_i32 = arith.constant 0 : i32
    %c0_i32_0 = arith.constant 0 : i32
    %c0_i32_1 = arith.constant 0 : i32
    return %c0_i32, %c0_i32_0 : i32, i32
  }
  func.func @transform_3(%arg0: i32) -> (i32, i32) {
    %c0_i32 = arith.constant 0 : i32
    %c0_i32_0 = arith.constant 0 : i32
    %c0_i32_1 = arith.constant 0 : i32
    return %c0_i32, %c0_i32_0 : i32, i32
  }
  func.func @transform_4(%arg0: i32) -> (i32, i32) {
    %c0_i32 = arith.constant 0 : i32
    %c0_i32_0 = arith.constant 0 : i32
    %c0_i32_1 = arith.constant 0 : i32
    return %c0_i32, %c0_i32_0 : i32, i32
  }
  func.func @transform_5(%arg0: i32) -> (i32, i32) {
    %c0_i32 = arith.constant 0 : i32
    %c0_i32_0 = arith.constant 0 : i32
    %c0_i32_1 = arith.constant 0 : i32
    return %c0_i32, %c0_i32_0 : i32, i32
  }
}

module attributes {stable_mosaic.version = 14 : i64} {
  func.func @_pass2_body(%arg0: i32, %arg1: memref<128x64xf32, #tpu.memory_space<vmem>>, %arg2: memref<64x2048xf32, #tpu.memory_space<vmem>>, %arg3: memref<128x2048xf32, #tpu.memory_space<vmem>>, %arg4: memref<128x1xf32, #tpu.memory_space<vmem>>, %arg5: memref<128x8xf32, #tpu.memory_space<vmem>>, %arg6: memref<128x8xi32, #tpu.memory_space<vmem>>, %arg7: memref<128x1xf32, #tpu.memory_space<vmem>>, %arg8: memref<128x1xf32, #tpu.memory_space<vmem>>, %arg9: memref<128x1xi32, #tpu.memory_space<vmem>>, %arg10: memref<128x1xf32, #tpu.memory_space<vmem>>, %arg11: memref<128x1xf32, #tpu.memory_space<vmem>>, %arg12: memref<128x1xi32, #tpu.memory_space<vmem>>, %arg13: memref<128x1xf32, #tpu.memory_space<vmem>>, %arg14: memref<128x1xf32, #tpu.memory_space<vmem>>, %arg15: memref<128x1xi32, #tpu.memory_space<vmem>>, %arg16: memref<128x1xf32, #tpu.memory_space<vmem>>, %arg17: memref<128x1xf32, #tpu.memory_space<vmem>>, %arg18: memref<128x1xi32, #tpu.memory_space<vmem>>) attributes {dimension_semantics = [#tpu.dimension_semantics<arbitrary>], iteration_bounds = array<i64: 49>, scalar_prefetch = 0 : i64, scratch_operands = 6 : i64, tpu.core_type = #tpu.core_type<tc>, window_params = [{pipeline_mode = #tpu.pipeline_mode<synchronous>, transform_indices = @transform_0, window_bounds = array<i64: 128, 64>}, {transform_indices = @transform_1, window_bounds = array<i64: 64, 2048>}, {transform_indices = @transform_2, window_bounds = array<i64: 128, 2048>}, {pipeline_mode = #tpu.pipeline_mode<synchronous>, transform_indices = @transform_3, window_bounds = array<i64: 128, 1>}, {pipeline_mode = #tpu.pipeline_mode<synchronous>, transform_indices = @transform_4, window_bounds = array<i64: 128, 8>}, {pipeline_mode = #tpu.pipeline_mode<synchronous>, transform_indices = @transform_5, window_bounds = array<i64: 128, 8>}, {pipeline_mode = #tpu.pipeline_mode<synchronous>, transform_indices = @transform_6, window_bounds = array<i64: 128, 1>}, {pipeline_mode = #tpu.pipeline_mode<synchronous>, transform_indices = @transform_7, window_bounds = array<i64: 128, 1>}, {pipeline_mode = #tpu.pipeline_mode<synchronous>, transform_indices = @transform_8, window_bounds = array<i64: 128, 1>}, {pipeline_mode = #tpu.pipeline_mode<synchronous>, transform_indices = @transform_9, window_bounds = array<i64: 128, 1>}, {pipeline_mode = #tpu.pipeline_mode<synchronous>, transform_indices = @transform_10, window_bounds = array<i64: 128, 1>}, {pipeline_mode = #tpu.pipeline_mode<synchronous>, transform_indices = @transform_11, window_bounds = array<i64: 128, 1>}]} {
    %eq3A = arith.constant 0 : i32
    %eq3A_0 = arith.cmpi eq, %arg0, %eq3A : i32
    %convert_element_type3A = arith.extui %eq3A_0 : i1 to i32
    %cond3A = arith.constant 0 : i32
    %cond3A_1 = arith.cmpi ne, %convert_element_type3A, %cond3A : i32
    scf.if %cond3A_1 {
      %broadcast_in_dim3A_132 = arith.constant 0.000000e+00 : f32
      %broadcast_in_dim3A_133 = vector.broadcast %broadcast_in_dim3A_132 : f32 to vector<128x1xf32>
      %swap3A_134 = arith.constant 0 : index
      %swap3A_135 = arith.constant 0 : index
      %swap3A_136 = vector.load %arg13[%swap3A_134, %swap3A_135] : memref<128x1xf32, #tpu.memory_space<vmem>>, vector<128x1xf32>
      tpu.vector_store %arg13[%swap3A_134, %swap3A_135], %broadcast_in_dim3A_133 {strides = array<i32>} : memref<128x1xf32, #tpu.memory_space<vmem>>, vector<128x1xf32>,
      %broadcast_in_dim3A_137 = arith.constant -1.000000e+30 : f32
      %broadcast_in_dim3A_138 = vector.broadcast %broadcast_in_dim3A_137 : f32 to vector<128x1xf32>
      %swap3A_139 = arith.constant 0 : index
      %swap3A_140 = arith.constant 0 : index
      %swap3A_141 = vector.load %arg14[%swap3A_139, %swap3A_140] : memref<128x1xf32, #tpu.memory_space<vmem>>, vector<128x1xf32>
      tpu.vector_store %arg14[%swap3A_139, %swap3A_140], %broadcast_in_dim3A_138 {strides = array<i32>} : memref<128x1xf32, #tpu.memory_space<vmem>>, vector<128x1xf32>,
      %broadcast_in_dim3A_142 = arith.constant 1073741824 : i32
      %broadcast_in_dim3A_143 = vector.broadcast %broadcast_in_dim3A_142 : i32 to vector<128x1xi32>
      %swap3A_144 = arith.constant 0 : index
      %swap3A_145 = arith.constant 0 : index
      %swap3A_146 = vector.load %arg15[%swap3A_144, %swap3A_145] : memref<128x1xi32, #tpu.memory_space<vmem>>, vector<128x1xi32>
      tpu.vector_store %arg15[%swap3A_144, %swap3A_145], %broadcast_in_dim3A_143 {strides = array<i32>} : memref<128x1xi32, #tpu.memory_space<vmem>>, vector<128x1xi32>,
      %broadcast_in_dim3A_147 = arith.constant -1.000000e+30 : f32
      %broadcast_in_dim3A_148 = vector.broadcast %broadcast_in_dim3A_147 : f32 to vector<128x1xf32>
      %swap3A_149 = arith.constant 0 : index
      %swap3A_150 = arith.constant 0 : index
      %swap3A_151 = vector.load %arg16[%swap3A_149, %swap3A_150] : memref<128x1xf32, #tpu.memory_space<vmem>>, vector<128x1xf32>
      tpu.vector_store %arg16[%swap3A_149, %swap3A_150], %broadcast_in_dim3A_148 {strides = array<i32>} : memref<128x1xf32, #tpu.memory_space<vmem>>, vector<128x1xf32>,
      %broadcast_in_dim3A_152 = arith.constant -1.000000e+30 : f32
      %broadcast_in_dim3A_153 = vector.broadcast %broadcast_in_dim3A_152 : f32 to vector<128x1xf32>
      %swap3A_154 = arith.constant 0 : index
      %swap3A_155 = arith.constant 0 : index
      %swap3A_156 = vector.load %arg17[%swap3A_154, %swap3A_155] : memref<128x1xf32, #tpu.memory_space<vmem>>, vector<128x1xf32>
      tpu.vector_store %arg17[%swap3A_154, %swap3A_155], %broadcast_in_dim3A_153 {strides = array<i32>} : memref<128x1xf32, #tpu.memory_space<vmem>>, vector<128x1xf32>,
      %broadcast_in_dim3A_157 = arith.constant 1073741824 : i32
      %broadcast_in_dim3A_158 = vector.broadcast %broadcast_in_dim3A_157 : i32 to vector<128x1xi32>
      %swap3A_159 = arith.constant 0 : index
      %swap3A_160 = arith.constant 0 : index
      %swap3A_161 = vector.load %arg18[%swap3A_159, %swap3A_160] : memref<128x1xi32, #tpu.memory_space<vmem>>, vector<128x1xi32>
      tpu.vector_store %arg18[%swap3A_159, %swap3A_160], %broadcast_in_dim3A_158 {strides = array<i32>} : memref<128x1xi32, #tpu.memory_space<vmem>>, vector<128x1xi32>,
    } else {
    }
    %get3A = arith.constant 0 : index
    %get3A_2 = arith.constant 0 : index
    %get3A_3 = vector.load %arg4[%get3A, %get3A_2] : memref<128x1xf32, #tpu.memory_space<vmem>>, vector<128x1xf32>
    %get3A_4 = arith.constant 0 : index
    %get3A_5 = arith.constant 0 : index
    %get3A_6 = vector.load %arg5[%get3A_4, %get3A_5] : memref<128x8xf32, #tpu.memory_space<vmem>>, vector<128x8xf32>
    %get3A_7 = arith.constant 0 : index
    %get3A_8 = arith.constant 0 : index
    %get3A_9 = vector.load %arg6[%get3A_7, %get3A_8] : memref<128x8xi32, #tpu.memory_space<vmem>>, vector<128x8xi32>
    %slice3A = vector.extract_strided_slice %get3A_6 {offsets = [0, 7], sizes = [128, 1], strides = [1, 1]} : vector<128x8xf32> to vector<128x1xf32>
    %eq3A_10 = vector.broadcast %slice3A : vector<128x1xf32> to vector<128x8xf32>
    %eq3A_11 = arith.cmpf oeq, %get3A_6, %eq3A_10 : vector<128x8xf32>
    %jit3A = arith.constant -1 : i32
    %broadcast_in_dim3A = vector.broadcast %jit3A : i32 to vector<128x8xi32>
    %select_n3A = arith.select %eq3A_11, %get3A_9, %broadcast_in_dim3A : vector<128x8xi1>, vector<128x8xi32>
    %reduce_max3A = arith.constant dense<-2147483648> : vector<128xi32>
    %reduce_max3A_12 = vector.multi_reduction <maxsi>, %select_n3A, %reduce_max3A [1] : vector<128x8xi32> to vector<128xi32>
    %broadcast_in_dim3A_13 = vector.shape_cast %reduce_max3A_12 : vector<128xi32> to vector<128x1xi32>
    %get3A_14 = arith.constant 0 : index
    %get3A_15 = arith.constant 0 : index
    %get3A_16 = vector.load %arg1[%get3A_14, %get3A_15] : memref<128x64xf32, #tpu.memory_space<vmem>>, vector<128x64xf32>
    %get3A_17 = arith.constant 0 : index
    %get3A_18 = arith.constant 0 : index
    %get3A_19 = vector.load %arg2[%get3A_17, %get3A_18] : memref<64x2048xf32, #tpu.memory_space<vmem>>, vector<64x2048xf32>
    %dot_general3A = arith.constant dense<0.000000e+00> : vector<128x2048xf32>
    %dot_general3A_20 = tpu.matmul %get3A_16, %get3A_19, %dot_general3A {dimension_numbers = #tpu.dot_dimension_numbers<[1], [0], [0], [1], [0, 0, 1, 1], [], []>, transpose_lhs_hint = false} : vector<128x64xf32>, vector<64x2048xf32>, vector<128x2048xf32> -> vector<128x2048xf32>
    %iota3A = tpu.iota {dimensions = array<i32: 1>} : vector<128x2048xi32>
    %mul3A = arith.constant 2048 : i32
    %mul3A_21 = arith.muli %arg0, %mul3A : i32
    %add3A = vector.broadcast %mul3A_21 : i32 to vector<128x2048xi32>
    %add3A_22 = arith.addi %iota3A, %add3A : vector<128x2048xi32>
    %lt3A = arith.constant 100000 : i32
    %lt3A_23 = vector.broadcast %lt3A : i32 to vector<128x2048xi32>
    %lt3A_24 = arith.cmpi slt, %add3A_22, %lt3A_23 : vector<128x2048xi32>
    %jit3A_25 = arith.constant -1.000000e+30 : f32
    %broadcast_in_dim3A_26 = vector.broadcast %jit3A_25 : f32 to vector<128x2048xf32>
    %select_n3A_27 = arith.select %lt3A_24, %dot_general3A_20, %broadcast_in_dim3A_26 : vector<128x2048xi1>, vector<128x2048xf32>
    %sub3A = vector.broadcast %get3A_3 : vector<128x1xf32> to vector<128x2048xf32>
    %sub3A_28 = arith.subf %select_n3A_27, %sub3A : vector<128x2048xf32>
    %exp3A = math.exp %sub3A_28 : vector<128x2048xf32>
    %get3A_29 = arith.constant 0 : index
    %get3A_30 = arith.constant 0 : index
    %get3A_31 = vector.load %arg13[%get3A_29, %get3A_30] : memref<128x1xf32, #tpu.memory_space<vmem>>, vector<128x1xf32>
    %reduce_sum3A = arith.constant dense<0.000000e+00> : vector<128xf32>
    %reduce_sum3A_32 = vector.multi_reduction <add>, %exp3A, %reduce_sum3A [1] : vector<128x2048xf32> to vector<128xf32>
    %broadcast_in_dim3A_33 = vector.shape_cast %reduce_sum3A_32 : vector<128xf32> to vector<128x1xf32>
    %add3A_34 = arith.addf %get3A_31, %broadcast_in_dim3A_33 : vector<128x1xf32>
    %swap3A = arith.constant 0 : index
    %swap3A_35 = arith.constant 0 : index
    %swap3A_36 = vector.load %arg13[%swap3A, %swap3A_35] : memref<128x1xf32, #tpu.memory_space<vmem>>, vector<128x1xf32>
    tpu.vector_store %arg13[%swap3A, %swap3A_35], %add3A_34 {strides = array<i32>} : memref<128x1xf32, #tpu.memory_space<vmem>>, vector<128x1xf32>,
    %gt3A = vector.broadcast %slice3A : vector<128x1xf32> to vector<128x2048xf32>
    %gt3A_37 = arith.cmpf ogt, %select_n3A_27, %gt3A : vector<128x2048xf32>
    %eq3A_38 = vector.broadcast %slice3A : vector<128x1xf32> to vector<128x2048xf32>
    %eq3A_39 = arith.cmpf oeq, %select_n3A_27, %eq3A_38 : vector<128x2048xf32>
    %le3A = vector.broadcast %broadcast_in_dim3A_13 : vector<128x1xi32> to vector<128x2048xi32>
    %le3A_40 = arith.cmpi sle, %add3A_22, %le3A : vector<128x2048xi32>
    %and3A = arith.andi %eq3A_39, %le3A_40 : vector<128x2048xi1>
    %or3A = arith.ori %gt3A_37, %and3A : vector<128x2048xi1>
    %get3A_41 = arith.constant 0 : index
    %get3A_42 = arith.constant 0 : index
    %get3A_43 = vector.load %arg3[%get3A_41, %get3A_42] : memref<128x2048xf32, #tpu.memory_space<vmem>>, vector<128x2048xf32>
    %not3A = arith.constant dense<true> : vector<128x2048xi1>
    %not3A_44 = arith.xori %lt3A_24, %not3A : vector<128x2048xi1>
    %or3A_45 = arith.ori %or3A, %not3A_44 : vector<128x2048xi1>
    %sub3A_46 = vector.broadcast %get3A_3 : vector<128x1xf32> to vector<128x2048xf32>
    %sub3A_47 = arith.subf %select_n3A_27, %sub3A_46 : vector<128x2048xf32>
    %add3A_48 = arith.addf %sub3A_47, %get3A_43 : vector<128x2048xf32>
    %jit3A_49 = arith.constant -1.000000e+30 : f32
    %broadcast_in_dim3A_50 = vector.broadcast %jit3A_49 : f32 to vector<128x2048xf32>
    %select_n3A_51 = arith.select %or3A_45, %broadcast_in_dim3A_50, %add3A_48 : vector<128x2048xi1>, vector<128x2048xf32>
    %reduce_max3A_52 = arith.constant dense<0xFF800000> : vector<128xf32>
    %reduce_max3A_53 = vector.multi_reduction <maximumf>, %select_n3A_51, %reduce_max3A_52 [1] : vector<128x2048xf32> to vector<128xf32>
    %broadcast_in_dim3A_54 = vector.shape_cast %reduce_max3A_53 : vector<128xf32> to vector<128x1xf32>
    %eq3A_55 = vector.broadcast %broadcast_in_dim3A_54 : vector<128x1xf32> to vector<128x2048xf32>
    %eq3A_56 = arith.cmpf oeq, %select_n3A_51, %eq3A_55 : vector<128x2048xf32>
    %jit3A_57 = arith.constant 1073741824 : i32
    %broadcast_in_dim3A_58 = vector.broadcast %jit3A_57 : i32 to vector<128x2048xi32>
    %select_n3A_59 = arith.select %eq3A_56, %add3A_22, %broadcast_in_dim3A_58 : vector<128x2048xi1>, vector<128x2048xi32>
    %reduce_min3A = arith.constant dense<2147483647> : vector<128xi32>
    %reduce_min3A_60 = vector.multi_reduction <minsi>, %select_n3A_59, %reduce_min3A [1] : vector<128x2048xi32> to vector<128xi32>
    %broadcast_in_dim3A_61 = vector.shape_cast %reduce_min3A_60 : vector<128xi32> to vector<128x1xi32>
    %eq3A_62 = vector.broadcast %broadcast_in_dim3A_61 : vector<128x1xi32> to vector<128x2048xi32>
    %eq3A_63 = arith.cmpi eq, %add3A_22, %eq3A_62 : vector<128x2048xi32>
    %jit3A_64 = arith.constant -1.000000e+30 : f32
    %broadcast_in_dim3A_65 = vector.broadcast %jit3A_64 : f32 to vector<128x2048xf32>
    %select_n3A_66 = arith.select %eq3A_63, %select_n3A_27, %broadcast_in_dim3A_65 : vector<128x2048xi1>, vector<128x2048xf32>
    %reduce_max3A_67 = arith.constant dense<0xFF800000> : vector<128xf32>
    %reduce_max3A_68 = vector.multi_reduction <maximumf>, %select_n3A_66, %reduce_max3A_67 [1] : vector<128x2048xf32> to vector<128xf32>
    %broadcast_in_dim3A_69 = vector.shape_cast %reduce_max3A_68 : vector<128xf32> to vector<128x1xf32>
    %get3A_70 = arith.constant 0 : index
    %get3A_71 = arith.constant 0 : index
    %get3A_72 = vector.load %arg14[%get3A_70, %get3A_71] : memref<128x1xf32, #tpu.memory_space<vmem>>, vector<128x1xf32>
    %gt3A_73 = arith.cmpf ogt, %broadcast_in_dim3A_54, %get3A_72 : vector<128x1xf32>
    %get3A_74 = arith.constant 0 : index
    %get3A_75 = arith.constant 0 : index
    %get3A_76 = vector.load %arg14[%get3A_74, %get3A_75] : memref<128x1xf32, #tpu.memory_space<vmem>>, vector<128x1xf32>
    %select_n3A_77 = arith.select %gt3A_73, %broadcast_in_dim3A_54, %get3A_76 : vector<128x1xi1>, vector<128x1xf32>
    %swap3A_78 = arith.constant 0 : index
    %swap3A_79 = arith.constant 0 : index
    %swap3A_80 = vector.load %arg14[%swap3A_78, %swap3A_79] : memref<128x1xf32, #tpu.memory_space<vmem>>, vector<128x1xf32>
    tpu.vector_store %arg14[%swap3A_78, %swap3A_79], %select_n3A_77 {strides = array<i32>} : memref<128x1xf32, #tpu.memory_space<vmem>>, vector<128x1xf32>,
    %get3A_81 = arith.constant 0 : index
    %get3A_82 = arith.constant 0 : index
    %get3A_83 = vector.load %arg15[%get3A_81, %get3A_82] : memref<128x1xi32, #tpu.memory_space<vmem>>, vector<128x1xi32>
    %select_n3A_84 = arith.select %gt3A_73, %broadcast_in_dim3A_61, %get3A_83 : vector<128x1xi1>, vector<128x1xi32>
    %swap3A_85 = arith.constant 0 : index
    %swap3A_86 = arith.constant 0 : index
    %swap3A_87 = vector.load %arg15[%swap3A_85, %swap3A_86] : memref<128x1xi32, #tpu.memory_space<vmem>>, vector<128x1xi32>
    tpu.vector_store %arg15[%swap3A_85, %swap3A_86], %select_n3A_84 {strides = array<i32>} : memref<128x1xi32, #tpu.memory_space<vmem>>, vector<128x1xi32>,
    %get3A_88 = arith.constant 0 : index
    %get3A_89 = arith.constant 0 : index
    %get3A_90 = vector.load %arg16[%get3A_88, %get3A_89] : memref<128x1xf32, #tpu.memory_space<vmem>>, vector<128x1xf32>
    %select_n3A_91 = arith.select %gt3A_73, %broadcast_in_dim3A_69, %get3A_90 : vector<128x1xi1>, vector<128x1xf32>
    %swap3A_92 = arith.constant 0 : index
    %swap3A_93 = arith.constant 0 : index
    %swap3A_94 = vector.load %arg16[%swap3A_92, %swap3A_93] : memref<128x1xf32, #tpu.memory_space<vmem>>, vector<128x1xf32>
    tpu.vector_store %arg16[%swap3A_92, %swap3A_93], %select_n3A_91 {strides = array<i32>} : memref<128x1xf32, #tpu.memory_space<vmem>>, vector<128x1xf32>,
    %jit3A_95 = arith.constant -1.000000e+30 : f32
    %broadcast_in_dim3A_96 = vector.broadcast %jit3A_95 : f32 to vector<128x2048xf32>
    %select_n3A_97 = arith.select %or3A, %get3A_43, %broadcast_in_dim3A_96 : vector<128x2048xi1>, vector<128x2048xf32>
    %reduce_max3A_98 = arith.constant dense<0xFF800000> : vector<128xf32>
    %reduce_max3A_99 = vector.multi_reduction <maximumf>, %select_n3A_97, %reduce_max3A_98 [1] : vector<128x2048xf32> to vector<128xf32>
    %broadcast_in_dim3A_100 = vector.shape_cast %reduce_max3A_99 : vector<128xf32> to vector<128x1xf32>
    %eq3A_101 = vector.broadcast %broadcast_in_dim3A_100 : vector<128x1xf32> to vector<128x2048xf32>
    %eq3A_102 = arith.cmpf oeq, %select_n3A_97, %eq3A_101 : vector<128x2048xf32>
    %jit3A_103 = arith.constant 1073741824 : i32
    %broadcast_in_dim3A_104 = vector.broadcast %jit3A_103 : i32 to vector<128x2048xi32>
    %select_n3A_105 = arith.select %eq3A_102, %add3A_22, %broadcast_in_dim3A_104 : vector<128x2048xi1>, vector<128x2048xi32>
    %reduce_min3A_106 = arith.constant dense<2147483647> : vector<128xi32>
    %reduce_min3A_107 = vector.multi_reduction <minsi>, %select_n3A_105, %reduce_min3A_106 [1] : vector<128x2048xi32> to vector<128xi32>
    %broadcast_in_dim3A_108 = vector.shape_cast %reduce_min3A_107 : vector<128xi32> to vector<128x1xi32>
    %get3A_109 = arith.constant 0 : index
    %get3A_110 = arith.constant 0 : index
    %get3A_111 = vector.load %arg17[%get3A_109, %get3A_110] : memref<128x1xf32, #tpu.memory_space<vmem>>, vector<128x1xf32>
    %gt3A_112 = arith.cmpf ogt, %broadcast_in_dim3A_100, %get3A_111 : vector<128x1xf32>
    %get3A_113 = arith.constant 0 : index
    %get3A_114 = arith.constant 0 : index
    %get3A_115 = vector.load %arg17[%get3A_113, %get3A_114] : memref<128x1xf32, #tpu.memory_space<vmem>>, vector<128x1xf32>
    %select_n3A_116 = arith.select %gt3A_112, %broadcast_in_dim3A_100, %get3A_115 : vector<128x1xi1>, vector<128x1xf32>
    %swap3A_117 = arith.constant 0 : index
    %swap3A_118 = arith.constant 0 : index
    %swap3A_119 = vector.load %arg17[%swap3A_117, %swap3A_118] : memref<128x1xf32, #tpu.memory_space<vmem>>, vector<128x1xf32>
    tpu.vector_store %arg17[%swap3A_117, %swap3A_118], %select_n3A_116 {strides = array<i32>} : memref<128x1xf32, #tpu.memory_space<vmem>>, vector<128x1xf32>,
    %get3A_120 = arith.constant 0 : index
    %get3A_121 = arith.constant 0 : index
    %get3A_122 = vector.load %arg18[%get3A_120, %get3A_121] : memref<128x1xi32, #tpu.memory_space<vmem>>, vector<128x1xi32>
    %select_n3A_123 = arith.select %gt3A_112, %broadcast_in_dim3A_108, %get3A_122 : vector<128x1xi1>, vector<128x1xi32>
    %swap3A_124 = arith.constant 0 : index
    %swap3A_125 = arith.constant 0 : index
    %swap3A_126 = vector.load %arg18[%swap3A_124, %swap3A_125] : memref<128x1xi32, #tpu.memory_space<vmem>>, vector<128x1xi32>
    tpu.vector_store %arg18[%swap3A_124, %swap3A_125], %select_n3A_123 {strides = array<i32>} : memref<128x1xi32, #tpu.memory_space<vmem>>, vector<128x1xi32>,
    %eq3A_127 = arith.constant 48 : i32
    %eq3A_128 = arith.cmpi eq, %arg0, %eq3A_127 : i32
    %convert_element_type3A_129 = arith.extui %eq3A_128 : i1 to i32
    %cond3A_130 = arith.constant 0 : i32
    %cond3A_131 = arith.cmpi ne, %convert_element_type3A_129, %cond3A_130 : i32
    scf.if %cond3A_131 {
      %get3A_132 = arith.constant 0 : index
      %get3A_133 = arith.constant 0 : index
      %get3A_134 = vector.load %arg13[%get3A_132, %get3A_133] : memref<128x1xf32, #tpu.memory_space<vmem>>, vector<128x1xf32>
      %swap3A_135 = arith.constant 0 : index
      %swap3A_136 = arith.constant 0 : index
      %swap3A_137 = vector.load %arg7[%swap3A_135, %swap3A_136] : memref<128x1xf32, #tpu.memory_space<vmem>>, vector<128x1xf32>
      tpu.vector_store %arg7[%swap3A_135, %swap3A_136], %get3A_134 {strides = array<i32>} : memref<128x1xf32, #tpu.memory_space<vmem>>, vector<128x1xf32>,
      %get3A_138 = arith.constant 0 : index
      %get3A_139 = arith.constant 0 : index
      %get3A_140 = vector.load %arg14[%get3A_138, %get3A_139] : memref<128x1xf32, #tpu.memory_space<vmem>>, vector<128x1xf32>
      %swap3A_141 = arith.constant 0 : index
      %swap3A_142 = arith.constant 0 : index
      %swap3A_143 = vector.load %arg8[%swap3A_141, %swap3A_142] : memref<128x1xf32, #tpu.memory_space<vmem>>, vector<128x1xf32>
      tpu.vector_store %arg8[%swap3A_141, %swap3A_142], %get3A_140 {strides = array<i32>} : memref<128x1xf32, #tpu.memory_space<vmem>>, vector<128x1xf32>,
      %get3A_144 = arith.constant 0 : index
      %get3A_145 = arith.constant 0 : index
      %get3A_146 = vector.load %arg15[%get3A_144, %get3A_145] : memref<128x1xi32, #tpu.memory_space<vmem>>, vector<128x1xi32>
      %swap3A_147 = arith.constant 0 : index
      %swap3A_148 = arith.constant 0 : index
      %swap3A_149 = vector.load %arg9[%swap3A_147, %swap3A_148] : memref<128x1xi32, #tpu.memory_space<vmem>>, vector<128x1xi32>
      tpu.vector_store %arg9[%swap3A_147, %swap3A_148], %get3A_146 {strides = array<i32>} : memref<128x1xi32, #tpu.memory_space<vmem>>, vector<128x1xi32>,
      %get3A_150 = arith.constant 0 : index
      %get3A_151 = arith.constant 0 : index
      %get3A_152 = vector.load %arg16[%get3A_150, %get3A_151] : memref<128x1xf32, #tpu.memory_space<vmem>>, vector<128x1xf32>
      %swap3A_153 = arith.constant 0 : index
      %swap3A_154 = arith.constant 0 : index
      %swap3A_155 = vector.load %arg10[%swap3A_153, %swap3A_154] : memref<128x1xf32, #tpu.memory_space<vmem>>, vector<128x1xf32>
      tpu.vector_store %arg10[%swap3A_153, %swap3A_154], %get3A_152 {strides = array<i32>} : memref<128x1xf32, #tpu.memory_space<vmem>>, vector<128x1xf32>,
      %get3A_156 = arith.constant 0 : index
      %get3A_157 = arith.constant 0 : index
      %get3A_158 = vector.load %arg17[%get3A_156, %get3A_157] : memref<128x1xf32, #tpu.memory_space<vmem>>, vector<128x1xf32>
      %swap3A_159 = arith.constant 0 : index
      %swap3A_160 = arith.constant 0 : index
      %swap3A_161 = vector.load %arg11[%swap3A_159, %swap3A_160] : memref<128x1xf32, #tpu.memory_space<vmem>>, vector<128x1xf32>
      tpu.vector_store %arg11[%swap3A_159, %swap3A_160], %get3A_158 {strides = array<i32>} : memref<128x1xf32, #tpu.memory_space<vmem>>, vector<128x1xf32>,
      %get3A_162 = arith.constant 0 : index
      %get3A_163 = arith.constant 0 : index
      %get3A_164 = vector.load %arg18[%get3A_162, %get3A_163] : memref<128x1xi32, #tpu.memory_space<vmem>>, vector<128x1xi32>
      %swap3A_165 = arith.constant 0 : index
      %swap3A_166 = arith.constant 0 : index
      %swap3A_167 = vector.load %arg12[%swap3A_165, %swap3A_166] : memref<128x1xi32, #tpu.memory_space<vmem>>, vector<128x1xi32>
      tpu.vector_store %arg12[%swap3A_165, %swap3A_166], %get3A_164 {strides = array<i32>} : memref<128x1xi32, #tpu.memory_space<vmem>>, vector<128x1xi32>,
    } else {
    }
    return
  }
  func.func @transform_0(%arg0: i32) -> (i32, i32) {
    %c0_i32 = arith.constant 0 : i32
    %c0_i32_0 = arith.constant 0 : i32
    %c0_i32_1 = arith.constant 0 : i32
    return %c0_i32, %c0_i32_0 : i32, i32
  }
  func.func @transform_1(%arg0: i32) -> (i32, i32) {
    %c0_i32 = arith.constant 0 : i32
    %c0_i32_0 = arith.constant 0 : i32
    return %c0_i32, %arg0 : i32, i32
  }
  func.func @transform_2(%arg0: i32) -> (i32, i32) {
    %c0_i32 = arith.constant 0 : i32
    %c0_i32_0 = arith.constant 0 : i32
    return %c0_i32, %arg0 : i32, i32
  }
  func.func @transform_3(%arg0: i32) -> (i32, i32) {
    %c0_i32 = arith.constant 0 : i32
    %c0_i32_0 = arith.constant 0 : i32
    %c0_i32_1 = arith.constant 0 : i32
    return %c0_i32, %c0_i32_0 : i32, i32
  }
  func.func @transform_4(%arg0: i32) -> (i32, i32) {
    %c0_i32 = arith.constant 0 : i32
    %c0_i32_0 = arith.constant 0 : i32
    %c0_i32_1 = arith.constant 0 : i32
    return %c0_i32, %c0_i32_0 : i32, i32
  }
  func.func @transform_5(%arg0: i32) -> (i32, i32) {
    %c0_i32 = arith.constant 0 : i32
    %c0_i32_0 = arith.constant 0 : i32
    %c0_i32_1 = arith.constant 0 : i32
    return %c0_i32, %c0_i32_0 : i32, i32
  }
  func.func @transform_6(%arg0: i32) -> (i32, i32) {
    %c0_i32 = arith.constant 0 : i32
    %c0_i32_0 = arith.constant 0 : i32
    %c0_i32_1 = arith.constant 0 : i32
    return %c0_i32, %c0_i32_0 : i32, i32
  }
  func.func @transform_7(%arg0: i32) -> (i32, i32) {
    %c0_i32 = arith.constant 0 : i32
    %c0_i32_0 = arith.constant 0 : i32
    %c0_i32_1 = arith.constant 0 : i32
    return %c0_i32, %c0_i32_0 : i32, i32
  }
  func.func @transform_8(%arg0: i32) -> (i32, i32) {
    %c0_i32 = arith.constant 0 : i32
    %c0_i32_0 = arith.constant 0 : i32
    %c0_i32_1 = arith.constant 0 : i32
    return %c0_i32, %c0_i32_0 : i32, i32
  }
  func.func @transform_9(%arg0: i32) -> (i32, i32) {
    %c0_i32 = arith.constant 0 : i32
    %c0_i32_0 = arith.constant 0 : i32
    %c0_i32_1 = arith.constant 0 : i32
    return %c0_i32, %c0_i32_0 : i32, i32
  }
  func.func @transform_10(%arg0: i32) -> (i32, i32) {
    %c0_i32 = arith.constant 0 : i32
    %c0_i32_0 = arith.constant 0 : i32
    %c0_i32_1 = arith.constant 0 : i32
    return %c0_i32, %c0_i32_0 : i32, i32
  }
  func.func @transform_11(%arg0: i32) -> (i32, i32) {
    %c0_i32 = arith.constant 0 : i32
    %c0_i32_0 = arith.constant 0 : i32
    %c0_i32_1 = arith.constant 0 : i32
    return %c0_i32, %c0_i32_0 : i32, i32
  }
}

module attributes {stable_mosaic.version = 14 : i64} {
  func.func @_pass3_body(%arg0: i32, %arg1: memref<1024x64xf32, #tpu.memory_space<vmem>>, %arg2: memref<128x64xf32, #tpu.memory_space<vmem>>, %arg3: memref<128x64xf32, #tpu.memory_space<vmem>>, %arg4: memref<64x64xf32, #tpu.memory_space<vmem>>, %arg5: memref<64x128xf32, #tpu.memory_space<vmem>>, %arg6: memref<128x1xi32, #tpu.memory_space<vmem>>, %arg7: memref<128x8xf32, #tpu.memory_space<vmem>>, %arg8: memref<128x8xi32, #tpu.memory_space<vmem>>, %arg9: memref<128x1xf32, #tpu.memory_space<vmem>>, %arg10: memref<128x1xf32, #tpu.memory_space<vmem>>, %arg11: memref<128x1xf32, #tpu.memory_space<vmem>>, %arg12: memref<128x1xf32, #tpu.memory_space<vmem>>, %arg13: memref<128x1xi32, #tpu.memory_space<vmem>>, %arg14: memref<128x1xf32, #tpu.memory_space<vmem>>, %arg15: memref<128x1xf32, #tpu.memory_space<vmem>>, %arg16: memref<128x1xi32, #tpu.memory_space<vmem>>, %arg17: memref<8x128xf32, #tpu.memory_space<vmem>>) attributes {dimension_semantics = [#tpu.dimension_semantics<arbitrary>], iteration_bounds = array<i64: 1>, scalar_prefetch = 0 : i64, scratch_operands = 0 : i64, tpu.core_type = #tpu.core_type<tc>, window_params = [{pipeline_mode = #tpu.pipeline_mode<synchronous>, transform_indices = @transform_0, window_bounds = array<i64: 1024, 64>}, {pipeline_mode = #tpu.pipeline_mode<synchronous>, transform_indices = @transform_1, window_bounds = array<i64: 128, 64>}, {pipeline_mode = #tpu.pipeline_mode<synchronous>, transform_indices = @transform_2, window_bounds = array<i64: 128, 64>}, {pipeline_mode = #tpu.pipeline_mode<synchronous>, transform_indices = @transform_3, window_bounds = array<i64: 64, 64>}, {pipeline_mode = #tpu.pipeline_mode<synchronous>, transform_indices = @transform_4, window_bounds = array<i64: 64, 128>}, {pipeline_mode = #tpu.pipeline_mode<synchronous>, transform_indices = @transform_5, window_bounds = array<i64: 128, 1>}, {pipeline_mode = #tpu.pipeline_mode<synchronous>, transform_indices = @transform_6, window_bounds = array<i64: 128, 8>}, {pipeline_mode = #tpu.pipeline_mode<synchronous>, transform_indices = @transform_7, window_bounds = array<i64: 128, 8>}, {pipeline_mode = #tpu.pipeline_mode<synchronous>, transform_indices = @transform_8, window_bounds = array<i64: 128, 1>}, {pipeline_mode = #tpu.pipeline_mode<synchronous>, transform_indices = @transform_9, window_bounds = array<i64: 128, 1>}, {pipeline_mode = #tpu.pipeline_mode<synchronous>, transform_indices = @transform_10, window_bounds = array<i64: 128, 1>}, {pipeline_mode = #tpu.pipeline_mode<synchronous>, transform_indices = @transform_11, window_bounds = array<i64: 128, 1>}, {pipeline_mode = #tpu.pipeline_mode<synchronous>, transform_indices = @transform_12, window_bounds = array<i64: 128, 1>}, {pipeline_mode = #tpu.pipeline_mode<synchronous>, transform_indices = @transform_13, window_bounds = array<i64: 128, 1>}, {pipeline_mode = #tpu.pipeline_mode<synchronous>, transform_indices = @transform_14, window_bounds = array<i64: 128, 1>}, {pipeline_mode = #tpu.pipeline_mode<synchronous>, transform_indices = @transform_15, window_bounds = array<i64: 128, 1>}, {pipeline_mode = #tpu.pipeline_mode<synchronous>, transform_indices = @transform_16, window_bounds = array<i64: 8, 128>}]} {
    %get3A = arith.constant 0 : index
    %get3A_0 = arith.constant 0 : index
    %get3A_1 = vector.load %arg3[%get3A, %get3A_0] : memref<128x64xf32, #tpu.memory_space<vmem>>, vector<128x64xf32>
    %get3A_2 = arith.constant 0 : index
    %get3A_3 = arith.constant 0 : index
    %get3A_4 = vector.load %arg4[%get3A_2, %get3A_3] : memref<64x64xf32, #tpu.memory_space<vmem>>, vector<64x64xf32>
    %dot_general3A = arith.constant dense<0.000000e+00> : vector<128x64xf32>
    %dot_general3A_5 = tpu.matmul %get3A_1, %get3A_4, %dot_general3A {dimension_numbers = #tpu.dot_dimension_numbers<[1], [0], [0], [1], [0, 0, 1, 1], [], []>, transpose_lhs_hint = false} : vector<128x64xf32>, vector<64x64xf32>, vector<128x64xf32> -> vector<128x64xf32>
    %get3A_6 = arith.constant 0 : index
    %get3A_7 = arith.constant 0 : index
    %get3A_8 = vector.load %arg5[%get3A_6, %get3A_7] : memref<64x128xf32, #tpu.memory_space<vmem>>, vector<64x128xf32>
    %iota3A = tpu.iota {dimensions = array<i32: 1>} : vector<128x128xi32>
    %lt3A = arith.constant 100 : i32
    %lt3A_9 = vector.broadcast %lt3A : i32 to vector<128x128xi32>
    %lt3A_10 = arith.cmpi slt, %iota3A, %lt3A_9 : vector<128x128xi32>
    %get3A_11 = arith.constant 0 : index
    %get3A_12 = arith.constant 0 : index
    %get3A_13 = vector.load %arg6[%get3A_11, %get3A_12] : memref<128x1xi32, #tpu.memory_space<vmem>>, vector<128x1xi32>
    %get3A_14 = arith.constant 0 : index
    %get3A_15 = arith.constant 0 : index
    %get3A_16 = vector.load %arg1[%get3A_14, %get3A_15] : memref<1024x64xf32, #tpu.memory_space<vmem>>, vector<128x64xf32>
    %add3A = arith.addf %get3A_16, %dot_general3A_5 : vector<128x64xf32>
    %dot_general3A_17 = arith.constant dense<0.000000e+00> : vector<128x128xf32>
    %dot_general3A_18 = tpu.matmul %add3A, %get3A_8, %dot_general3A_17 {dimension_numbers = #tpu.dot_dimension_numbers<[1], [0], [0], [1], [0, 0, 1, 1], [], []>, transpose_lhs_hint = false} : vector<128x64xf32>, vector<64x128xf32>, vector<128x128xf32> -> vector<128x128xf32>
    %jit3A = arith.constant -1.000000e+30 : f32
    %broadcast_in_dim3A = vector.broadcast %jit3A : f32 to vector<128x128xf32>
    %select_n3A = arith.select %lt3A_10, %dot_general3A_18, %broadcast_in_dim3A : vector<128x128xi1>, vector<128x128xf32>
    %reduce_max3A = arith.constant dense<0xFF800000> : vector<128xf32>
    %reduce_max3A_19 = vector.multi_reduction <maximumf>, %select_n3A, %reduce_max3A [1] : vector<128x128xf32> to vector<128xf32>
    %broadcast_in_dim3A_20 = vector.shape_cast %reduce_max3A_19 : vector<128xf32> to vector<128x1xf32>
    %sub3A = vector.broadcast %broadcast_in_dim3A_20 : vector<128x1xf32> to vector<128x128xf32>
    %sub3A_21 = arith.subf %select_n3A, %sub3A : vector<128x128xf32>
    %exp3A = math.exp %sub3A_21 : vector<128x128xf32>
    %reduce_sum3A = arith.constant dense<0.000000e+00> : vector<128xf32>
    %reduce_sum3A_22 = vector.multi_reduction <add>, %exp3A, %reduce_sum3A [1] : vector<128x128xf32> to vector<128xf32>
    %broadcast_in_dim3A_23 = vector.shape_cast %reduce_sum3A_22 : vector<128xf32> to vector<128x1xf32>
    %log3A = math.log %broadcast_in_dim3A_23 : vector<128x1xf32>
    %add3A_24 = arith.addf %broadcast_in_dim3A_20, %log3A : vector<128x1xf32>
    %eq3A = vector.broadcast %get3A_13 : vector<128x1xi32> to vector<128x128xi32>
    %eq3A_25 = arith.cmpi eq, %iota3A, %eq3A : vector<128x128xi32>
    %jit3A_26 = arith.constant 0.000000e+00 : f32
    %broadcast_in_dim3A_27 = vector.broadcast %jit3A_26 : f32 to vector<128x128xf32>
    %select_n3A_28 = arith.select %eq3A_25, %select_n3A, %broadcast_in_dim3A_27 : vector<128x128xi1>, vector<128x128xf32>
    %reduce_sum3A_29 = arith.constant dense<0.000000e+00> : vector<128xf32>
    %reduce_sum3A_30 = vector.multi_reduction <add>, %select_n3A_28, %reduce_sum3A_29 [1] : vector<128x128xf32> to vector<128xf32>
    %broadcast_in_dim3A_31 = vector.shape_cast %reduce_sum3A_30 : vector<128xf32> to vector<128x1xf32>
    %sub3A_32 = arith.subf %add3A_24, %broadcast_in_dim3A_31 : vector<128x1xf32>
    %get3A_33 = arith.constant 128 : index
    %get3A_34 = arith.constant 0 : index
    %get3A_35 = vector.load %arg1[%get3A_33, %get3A_34] : memref<1024x64xf32, #tpu.memory_space<vmem>>, vector<128x64xf32>
    %add3A_36 = arith.addf %get3A_35, %dot_general3A_5 : vector<128x64xf32>
    %dot_general3A_37 = arith.constant dense<0.000000e+00> : vector<128x128xf32>
    %dot_general3A_38 = tpu.matmul %add3A_36, %get3A_8, %dot_general3A_37 {dimension_numbers = #tpu.dot_dimension_numbers<[1], [0], [0], [1], [0, 0, 1, 1], [], []>, transpose_lhs_hint = false} : vector<128x64xf32>, vector<64x128xf32>, vector<128x128xf32> -> vector<128x128xf32>
    %jit3A_39 = arith.constant -1.000000e+30 : f32
    %broadcast_in_dim3A_40 = vector.broadcast %jit3A_39 : f32 to vector<128x128xf32>
    %select_n3A_41 = arith.select %lt3A_10, %dot_general3A_38, %broadcast_in_dim3A_40 : vector<128x128xi1>, vector<128x128xf32>
    %reduce_max3A_42 = arith.constant dense<0xFF800000> : vector<128xf32>
    %reduce_max3A_43 = vector.multi_reduction <maximumf>, %select_n3A_41, %reduce_max3A_42 [1] : vector<128x128xf32> to vector<128xf32>
    %broadcast_in_dim3A_44 = vector.shape_cast %reduce_max3A_43 : vector<128xf32> to vector<128x1xf32>
    %sub3A_45 = vector.broadcast %broadcast_in_dim3A_44 : vector<128x1xf32> to vector<128x128xf32>
    %sub3A_46 = arith.subf %select_n3A_41, %sub3A_45 : vector<128x128xf32>
    %exp3A_47 = math.exp %sub3A_46 : vector<128x128xf32>
    %reduce_sum3A_48 = arith.constant dense<0.000000e+00> : vector<128xf32>
    %reduce_sum3A_49 = vector.multi_reduction <add>, %exp3A_47, %reduce_sum3A_48 [1] : vector<128x128xf32> to vector<128xf32>
    %broadcast_in_dim3A_50 = vector.shape_cast %reduce_sum3A_49 : vector<128xf32> to vector<128x1xf32>
    %log3A_51 = math.log %broadcast_in_dim3A_50 : vector<128x1xf32>
    %add3A_52 = arith.addf %broadcast_in_dim3A_44, %log3A_51 : vector<128x1xf32>
    %eq3A_53 = vector.broadcast %get3A_13 : vector<128x1xi32> to vector<128x128xi32>
    %eq3A_54 = arith.cmpi eq, %iota3A, %eq3A_53 : vector<128x128xi32>
    %jit3A_55 = arith.constant 0.000000e+00 : f32
    %broadcast_in_dim3A_56 = vector.broadcast %jit3A_55 : f32 to vector<128x128xf32>
    %select_n3A_57 = arith.select %eq3A_54, %select_n3A_41, %broadcast_in_dim3A_56 : vector<128x128xi1>, vector<128x128xf32>
    %reduce_sum3A_58 = arith.constant dense<0.000000e+00> : vector<128xf32>
    %reduce_sum3A_59 = vector.multi_reduction <add>, %select_n3A_57, %reduce_sum3A_58 [1] : vector<128x128xf32> to vector<128xf32>
    %broadcast_in_dim3A_60 = vector.shape_cast %reduce_sum3A_59 : vector<128xf32> to vector<128x1xf32>
    %sub3A_61 = arith.subf %add3A_52, %broadcast_in_dim3A_60 : vector<128x1xf32>
    %get3A_62 = arith.constant 256 : index
    %get3A_63 = arith.constant 0 : index
    %get3A_64 = vector.load %arg1[%get3A_62, %get3A_63] : memref<1024x64xf32, #tpu.memory_space<vmem>>, vector<128x64xf32>
    %add3A_65 = arith.addf %get3A_64, %dot_general3A_5 : vector<128x64xf32>
    %dot_general3A_66 = arith.constant dense<0.000000e+00> : vector<128x128xf32>
    %dot_general3A_67 = tpu.matmul %add3A_65, %get3A_8, %dot_general3A_66 {dimension_numbers = #tpu.dot_dimension_numbers<[1], [0], [0], [1], [0, 0, 1, 1], [], []>, transpose_lhs_hint = false} : vector<128x64xf32>, vector<64x128xf32>, vector<128x128xf32> -> vector<128x128xf32>
    %jit3A_68 = arith.constant -1.000000e+30 : f32
    %broadcast_in_dim3A_69 = vector.broadcast %jit3A_68 : f32 to vector<128x128xf32>
    %select_n3A_70 = arith.select %lt3A_10, %dot_general3A_67, %broadcast_in_dim3A_69 : vector<128x128xi1>, vector<128x128xf32>
    %reduce_max3A_71 = arith.constant dense<0xFF800000> : vector<128xf32>
    %reduce_max3A_72 = vector.multi_reduction <maximumf>, %select_n3A_70, %reduce_max3A_71 [1] : vector<128x128xf32> to vector<128xf32>
    %broadcast_in_dim3A_73 = vector.shape_cast %reduce_max3A_72 : vector<128xf32> to vector<128x1xf32>
    %sub3A_74 = vector.broadcast %broadcast_in_dim3A_73 : vector<128x1xf32> to vector<128x128xf32>
    %sub3A_75 = arith.subf %select_n3A_70, %sub3A_74 : vector<128x128xf32>
    %exp3A_76 = math.exp %sub3A_75 : vector<128x128xf32>
    %reduce_sum3A_77 = arith.constant dense<0.000000e+00> : vector<128xf32>
    %reduce_sum3A_78 = vector.multi_reduction <add>, %exp3A_76, %reduce_sum3A_77 [1] : vector<128x128xf32> to vector<128xf32>
    %broadcast_in_dim3A_79 = vector.shape_cast %reduce_sum3A_78 : vector<128xf32> to vector<128x1xf32>
    %log3A_80 = math.log %broadcast_in_dim3A_79 : vector<128x1xf32>
    %add3A_81 = arith.addf %broadcast_in_dim3A_73, %log3A_80 : vector<128x1xf32>
    %eq3A_82 = vector.broadcast %get3A_13 : vector<128x1xi32> to vector<128x128xi32>
    %eq3A_83 = arith.cmpi eq, %iota3A, %eq3A_82 : vector<128x128xi32>
    %jit3A_84 = arith.constant 0.000000e+00 : f32
    %broadcast_in_dim3A_85 = vector.broadcast %jit3A_84 : f32 to vector<128x128xf32>
    %select_n3A_86 = arith.select %eq3A_83, %select_n3A_70, %broadcast_in_dim3A_85 : vector<128x128xi1>, vector<128x128xf32>
    %reduce_sum3A_87 = arith.constant dense<0.000000e+00> : vector<128xf32>
    %reduce_sum3A_88 = vector.multi_reduction <add>, %select_n3A_86, %reduce_sum3A_87 [1] : vector<128x128xf32> to vector<128xf32>
    %broadcast_in_dim3A_89 = vector.shape_cast %reduce_sum3A_88 : vector<128xf32> to vector<128x1xf32>
    %sub3A_90 = arith.subf %add3A_81, %broadcast_in_dim3A_89 : vector<128x1xf32>
    %get3A_91 = arith.constant 384 : index
    %get3A_92 = arith.constant 0 : index
    %get3A_93 = vector.load %arg1[%get3A_91, %get3A_92] : memref<1024x64xf32, #tpu.memory_space<vmem>>, vector<128x64xf32>
    %add3A_94 = arith.addf %get3A_93, %dot_general3A_5 : vector<128x64xf32>
    %dot_general3A_95 = arith.constant dense<0.000000e+00> : vector<128x128xf32>
    %dot_general3A_96 = tpu.matmul %add3A_94, %get3A_8, %dot_general3A_95 {dimension_numbers = #tpu.dot_dimension_numbers<[1], [0], [0], [1], [0, 0, 1, 1], [], []>, transpose_lhs_hint = false} : vector<128x64xf32>, vector<64x128xf32>, vector<128x128xf32> -> vector<128x128xf32>
    %jit3A_97 = arith.constant -1.000000e+30 : f32
    %broadcast_in_dim3A_98 = vector.broadcast %jit3A_97 : f32 to vector<128x128xf32>
    %select_n3A_99 = arith.select %lt3A_10, %dot_general3A_96, %broadcast_in_dim3A_98 : vector<128x128xi1>, vector<128x128xf32>
    %reduce_max3A_100 = arith.constant dense<0xFF800000> : vector<128xf32>
    %reduce_max3A_101 = vector.multi_reduction <maximumf>, %select_n3A_99, %reduce_max3A_100 [1] : vector<128x128xf32> to vector<128xf32>
    %broadcast_in_dim3A_102 = vector.shape_cast %reduce_max3A_101 : vector<128xf32> to vector<128x1xf32>
    %sub3A_103 = vector.broadcast %broadcast_in_dim3A_102 : vector<128x1xf32> to vector<128x128xf32>
    %sub3A_104 = arith.subf %select_n3A_99, %sub3A_103 : vector<128x128xf32>
    %exp3A_105 = math.exp %sub3A_104 : vector<128x128xf32>
    %reduce_sum3A_106 = arith.constant dense<0.000000e+00> : vector<128xf32>
    %reduce_sum3A_107 = vector.multi_reduction <add>, %exp3A_105, %reduce_sum3A_106 [1] : vector<128x128xf32> to vector<128xf32>
    %broadcast_in_dim3A_108 = vector.shape_cast %reduce_sum3A_107 : vector<128xf32> to vector<128x1xf32>
    %log3A_109 = math.log %broadcast_in_dim3A_108 : vector<128x1xf32>
    %add3A_110 = arith.addf %broadcast_in_dim3A_102, %log3A_109 : vector<128x1xf32>
    %eq3A_111 = vector.broadcast %get3A_13 : vector<128x1xi32> to vector<128x128xi32>
    %eq3A_112 = arith.cmpi eq, %iota3A, %eq3A_111 : vector<128x128xi32>
    %jit3A_113 = arith.constant 0.000000e+00 : f32
    %broadcast_in_dim3A_114 = vector.broadcast %jit3A_113 : f32 to vector<128x128xf32>
    %select_n3A_115 = arith.select %eq3A_112, %select_n3A_99, %broadcast_in_dim3A_114 : vector<128x128xi1>, vector<128x128xf32>
    %reduce_sum3A_116 = arith.constant dense<0.000000e+00> : vector<128xf32>
    %reduce_sum3A_117 = vector.multi_reduction <add>, %select_n3A_115, %reduce_sum3A_116 [1] : vector<128x128xf32> to vector<128xf32>
    %broadcast_in_dim3A_118 = vector.shape_cast %reduce_sum3A_117 : vector<128xf32> to vector<128x1xf32>
    %sub3A_119 = arith.subf %add3A_110, %broadcast_in_dim3A_118 : vector<128x1xf32>
    %get3A_120 = arith.constant 512 : index
    %get3A_121 = arith.constant 0 : index
    %get3A_122 = vector.load %arg1[%get3A_120, %get3A_121] : memref<1024x64xf32, #tpu.memory_space<vmem>>, vector<128x64xf32>
    %add3A_123 = arith.addf %get3A_122, %dot_general3A_5 : vector<128x64xf32>
    %dot_general3A_124 = arith.constant dense<0.000000e+00> : vector<128x128xf32>
    %dot_general3A_125 = tpu.matmul %add3A_123, %get3A_8, %dot_general3A_124 {dimension_numbers = #tpu.dot_dimension_numbers<[1], [0], [0], [1], [0, 0, 1, 1], [], []>, transpose_lhs_hint = false} : vector<128x64xf32>, vector<64x128xf32>, vector<128x128xf32> -> vector<128x128xf32>
    %jit3A_126 = arith.constant -1.000000e+30 : f32
    %broadcast_in_dim3A_127 = vector.broadcast %jit3A_126 : f32 to vector<128x128xf32>
    %select_n3A_128 = arith.select %lt3A_10, %dot_general3A_125, %broadcast_in_dim3A_127 : vector<128x128xi1>, vector<128x128xf32>
    %reduce_max3A_129 = arith.constant dense<0xFF800000> : vector<128xf32>
    %reduce_max3A_130 = vector.multi_reduction <maximumf>, %select_n3A_128, %reduce_max3A_129 [1] : vector<128x128xf32> to vector<128xf32>
    %broadcast_in_dim3A_131 = vector.shape_cast %reduce_max3A_130 : vector<128xf32> to vector<128x1xf32>
    %sub3A_132 = vector.broadcast %broadcast_in_dim3A_131 : vector<128x1xf32> to vector<128x128xf32>
    %sub3A_133 = arith.subf %select_n3A_128, %sub3A_132 : vector<128x128xf32>
    %exp3A_134 = math.exp %sub3A_133 : vector<128x128xf32>
    %reduce_sum3A_135 = arith.constant dense<0.000000e+00> : vector<128xf32>
    %reduce_sum3A_136 = vector.multi_reduction <add>, %exp3A_134, %reduce_sum3A_135 [1] : vector<128x128xf32> to vector<128xf32>
    %broadcast_in_dim3A_137 = vector.shape_cast %reduce_sum3A_136 : vector<128xf32> to vector<128x1xf32>
    %log3A_138 = math.log %broadcast_in_dim3A_137 : vector<128x1xf32>
    %add3A_139 = arith.addf %broadcast_in_dim3A_131, %log3A_138 : vector<128x1xf32>
    %eq3A_140 = vector.broadcast %get3A_13 : vector<128x1xi32> to vector<128x128xi32>
    %eq3A_141 = arith.cmpi eq, %iota3A, %eq3A_140 : vector<128x128xi32>
    %jit3A_142 = arith.constant 0.000000e+00 : f32
    %broadcast_in_dim3A_143 = vector.broadcast %jit3A_142 : f32 to vector<128x128xf32>
    %select_n3A_144 = arith.select %eq3A_141, %select_n3A_128, %broadcast_in_dim3A_143 : vector<128x128xi1>, vector<128x128xf32>
    %reduce_sum3A_145 = arith.constant dense<0.000000e+00> : vector<128xf32>
    %reduce_sum3A_146 = vector.multi_reduction <add>, %select_n3A_144, %reduce_sum3A_145 [1] : vector<128x128xf32> to vector<128xf32>
    %broadcast_in_dim3A_147 = vector.shape_cast %reduce_sum3A_146 : vector<128xf32> to vector<128x1xf32>
    %sub3A_148 = arith.subf %add3A_139, %broadcast_in_dim3A_147 : vector<128x1xf32>
    %get3A_149 = arith.constant 640 : index
    %get3A_150 = arith.constant 0 : index
    %get3A_151 = vector.load %arg1[%get3A_149, %get3A_150] : memref<1024x64xf32, #tpu.memory_space<vmem>>, vector<128x64xf32>
    %add3A_152 = arith.addf %get3A_151, %dot_general3A_5 : vector<128x64xf32>
    %dot_general3A_153 = arith.constant dense<0.000000e+00> : vector<128x128xf32>
    %dot_general3A_154 = tpu.matmul %add3A_152, %get3A_8, %dot_general3A_153 {dimension_numbers = #tpu.dot_dimension_numbers<[1], [0], [0], [1], [0, 0, 1, 1], [], []>, transpose_lhs_hint = false} : vector<128x64xf32>, vector<64x128xf32>, vector<128x128xf32> -> vector<128x128xf32>
    %jit3A_155 = arith.constant -1.000000e+30 : f32
    %broadcast_in_dim3A_156 = vector.broadcast %jit3A_155 : f32 to vector<128x128xf32>
    %select_n3A_157 = arith.select %lt3A_10, %dot_general3A_154, %broadcast_in_dim3A_156 : vector<128x128xi1>, vector<128x128xf32>
    %reduce_max3A_158 = arith.constant dense<0xFF800000> : vector<128xf32>
    %reduce_max3A_159 = vector.multi_reduction <maximumf>, %select_n3A_157, %reduce_max3A_158 [1] : vector<128x128xf32> to vector<128xf32>
    %broadcast_in_dim3A_160 = vector.shape_cast %reduce_max3A_159 : vector<128xf32> to vector<128x1xf32>
    %sub3A_161 = vector.broadcast %broadcast_in_dim3A_160 : vector<128x1xf32> to vector<128x128xf32>
    %sub3A_162 = arith.subf %select_n3A_157, %sub3A_161 : vector<128x128xf32>
    %exp3A_163 = math.exp %sub3A_162 : vector<128x128xf32>
    %reduce_sum3A_164 = arith.constant dense<0.000000e+00> : vector<128xf32>
    %reduce_sum3A_165 = vector.multi_reduction <add>, %exp3A_163, %reduce_sum3A_164 [1] : vector<128x128xf32> to vector<128xf32>
    %broadcast_in_dim3A_166 = vector.shape_cast %reduce_sum3A_165 : vector<128xf32> to vector<128x1xf32>
    %log3A_167 = math.log %broadcast_in_dim3A_166 : vector<128x1xf32>
    %add3A_168 = arith.addf %broadcast_in_dim3A_160, %log3A_167 : vector<128x1xf32>
    %eq3A_169 = vector.broadcast %get3A_13 : vector<128x1xi32> to vector<128x128xi32>
    %eq3A_170 = arith.cmpi eq, %iota3A, %eq3A_169 : vector<128x128xi32>
    %jit3A_171 = arith.constant 0.000000e+00 : f32
    %broadcast_in_dim3A_172 = vector.broadcast %jit3A_171 : f32 to vector<128x128xf32>
    %select_n3A_173 = arith.select %eq3A_170, %select_n3A_157, %broadcast_in_dim3A_172 : vector<128x128xi1>, vector<128x128xf32>
    %reduce_sum3A_174 = arith.constant dense<0.000000e+00> : vector<128xf32>
    %reduce_sum3A_175 = vector.multi_reduction <add>, %select_n3A_173, %reduce_sum3A_174 [1] : vector<128x128xf32> to vector<128xf32>
    %broadcast_in_dim3A_176 = vector.shape_cast %reduce_sum3A_175 : vector<128xf32> to vector<128x1xf32>
    %sub3A_177 = arith.subf %add3A_168, %broadcast_in_dim3A_176 : vector<128x1xf32>
    %get3A_178 = arith.constant 768 : index
    %get3A_179 = arith.constant 0 : index
    %get3A_180 = vector.load %arg1[%get3A_178, %get3A_179] : memref<1024x64xf32, #tpu.memory_space<vmem>>, vector<128x64xf32>
    %add3A_181 = arith.addf %get3A_180, %dot_general3A_5 : vector<128x64xf32>
    %dot_general3A_182 = arith.constant dense<0.000000e+00> : vector<128x128xf32>
    %dot_general3A_183 = tpu.matmul %add3A_181, %get3A_8, %dot_general3A_182 {dimension_numbers = #tpu.dot_dimension_numbers<[1], [0], [0], [1], [0, 0, 1, 1], [], []>, transpose_lhs_hint = false} : vector<128x64xf32>, vector<64x128xf32>, vector<128x128xf32> -> vector<128x128xf32>
    %jit3A_184 = arith.constant -1.000000e+30 : f32
    %broadcast_in_dim3A_185 = vector.broadcast %jit3A_184 : f32 to vector<128x128xf32>
    %select_n3A_186 = arith.select %lt3A_10, %dot_general3A_183, %broadcast_in_dim3A_185 : vector<128x128xi1>, vector<128x128xf32>
    %reduce_max3A_187 = arith.constant dense<0xFF800000> : vector<128xf32>
    %reduce_max3A_188 = vector.multi_reduction <maximumf>, %select_n3A_186, %reduce_max3A_187 [1] : vector<128x128xf32> to vector<128xf32>
    %broadcast_in_dim3A_189 = vector.shape_cast %reduce_max3A_188 : vector<128xf32> to vector<128x1xf32>
    %sub3A_190 = vector.broadcast %broadcast_in_dim3A_189 : vector<128x1xf32> to vector<128x128xf32>
    %sub3A_191 = arith.subf %select_n3A_186, %sub3A_190 : vector<128x128xf32>
    %exp3A_192 = math.exp %sub3A_191 : vector<128x128xf32>
    %reduce_sum3A_193 = arith.constant dense<0.000000e+00> : vector<128xf32>
    %reduce_sum3A_194 = vector.multi_reduction <add>, %exp3A_192, %reduce_sum3A_193 [1] : vector<128x128xf32> to vector<128xf32>
    %broadcast_in_dim3A_195 = vector.shape_cast %reduce_sum3A_194 : vector<128xf32> to vector<128x1xf32>
    %log3A_196 = math.log %broadcast_in_dim3A_195 : vector<128x1xf32>
    %add3A_197 = arith.addf %broadcast_in_dim3A_189, %log3A_196 : vector<128x1xf32>
    %eq3A_198 = vector.broadcast %get3A_13 : vector<128x1xi32> to vector<128x128xi32>
    %eq3A_199 = arith.cmpi eq, %iota3A, %eq3A_198 : vector<128x128xi32>
    %jit3A_200 = arith.constant 0.000000e+00 : f32
    %broadcast_in_dim3A_201 = vector.broadcast %jit3A_200 : f32 to vector<128x128xf32>
    %select_n3A_202 = arith.select %eq3A_199, %select_n3A_186, %broadcast_in_dim3A_201 : vector<128x128xi1>, vector<128x128xf32>
    %reduce_sum3A_203 = arith.constant dense<0.000000e+00> : vector<128xf32>
    %reduce_sum3A_204 = vector.multi_reduction <add>, %select_n3A_202, %reduce_sum3A_203 [1] : vector<128x128xf32> to vector<128xf32>
    %broadcast_in_dim3A_205 = vector.shape_cast %reduce_sum3A_204 : vector<128xf32> to vector<128x1xf32>
    %sub3A_206 = arith.subf %add3A_197, %broadcast_in_dim3A_205 : vector<128x1xf32>
    %get3A_207 = arith.constant 896 : index
    %get3A_208 = arith.constant 0 : index
    %get3A_209 = vector.load %arg1[%get3A_207, %get3A_208] : memref<1024x64xf32, #tpu.memory_space<vmem>>, vector<128x64xf32>
    %add3A_210 = arith.addf %get3A_209, %dot_general3A_5 : vector<128x64xf32>
    %dot_general3A_211 = arith.constant dense<0.000000e+00> : vector<128x128xf32>
    %dot_general3A_212 = tpu.matmul %add3A_210, %get3A_8, %dot_general3A_211 {dimension_numbers = #tpu.dot_dimension_numbers<[1], [0], [0], [1], [0, 0, 1, 1], [], []>, transpose_lhs_hint = false} : vector<128x64xf32>, vector<64x128xf32>, vector<128x128xf32> -> vector<128x128xf32>
    %jit3A_213 = arith.constant -1.000000e+30 : f32
    %broadcast_in_dim3A_214 = vector.broadcast %jit3A_213 : f32 to vector<128x128xf32>
    %select_n3A_215 = arith.select %lt3A_10, %dot_general3A_212, %broadcast_in_dim3A_214 : vector<128x128xi1>, vector<128x128xf32>
    %reduce_max3A_216 = arith.constant dense<0xFF800000> : vector<128xf32>
    %reduce_max3A_217 = vector.multi_reduction <maximumf>, %select_n3A_215, %reduce_max3A_216 [1] : vector<128x128xf32> to vector<128xf32>
    %broadcast_in_dim3A_218 = vector.shape_cast %reduce_max3A_217 : vector<128xf32> to vector<128x1xf32>
    %sub3A_219 = vector.broadcast %broadcast_in_dim3A_218 : vector<128x1xf32> to vector<128x128xf32>
    %sub3A_220 = arith.subf %select_n3A_215, %sub3A_219 : vector<128x128xf32>
    %exp3A_221 = math.exp %sub3A_220 : vector<128x128xf32>
    %reduce_sum3A_222 = arith.constant dense<0.000000e+00> : vector<128xf32>
    %reduce_sum3A_223 = vector.multi_reduction <add>, %exp3A_221, %reduce_sum3A_222 [1] : vector<128x128xf32> to vector<128xf32>
    %broadcast_in_dim3A_224 = vector.shape_cast %reduce_sum3A_223 : vector<128xf32> to vector<128x1xf32>
    %log3A_225 = math.log %broadcast_in_dim3A_224 : vector<128x1xf32>
    %add3A_226 = arith.addf %broadcast_in_dim3A_218, %log3A_225 : vector<128x1xf32>
    %eq3A_227 = vector.broadcast %get3A_13 : vector<128x1xi32> to vector<128x128xi32>
    %eq3A_228 = arith.cmpi eq, %iota3A, %eq3A_227 : vector<128x128xi32>
    %jit3A_229 = arith.constant 0.000000e+00 : f32
    %broadcast_in_dim3A_230 = vector.broadcast %jit3A_229 : f32 to vector<128x128xf32>
    %select_n3A_231 = arith.select %eq3A_228, %select_n3A_215, %broadcast_in_dim3A_230 : vector<128x128xi1>, vector<128x128xf32>
    %reduce_sum3A_232 = arith.constant dense<0.000000e+00> : vector<128xf32>
    %reduce_sum3A_233 = vector.multi_reduction <add>, %select_n3A_231, %reduce_sum3A_232 [1] : vector<128x128xf32> to vector<128xf32>
    %broadcast_in_dim3A_234 = vector.shape_cast %reduce_sum3A_233 : vector<128xf32> to vector<128x1xf32>
    %sub3A_235 = arith.subf %add3A_226, %broadcast_in_dim3A_234 : vector<128x1xf32>
    %get3A_236 = arith.constant 0 : index
    %get3A_237 = arith.constant 0 : index
    %get3A_238 = vector.load %arg2[%get3A_236, %get3A_237] : memref<128x64xf32, #tpu.memory_space<vmem>>, vector<128x64xf32>
    %add3A_239 = arith.addf %get3A_238, %dot_general3A_5 : vector<128x64xf32>
    %dot_general3A_240 = arith.constant dense<0.000000e+00> : vector<128x128xf32>
    %dot_general3A_241 = tpu.matmul %add3A_239, %get3A_8, %dot_general3A_240 {dimension_numbers = #tpu.dot_dimension_numbers<[1], [0], [0], [1], [0, 0, 1, 1], [], []>, transpose_lhs_hint = false} : vector<128x64xf32>, vector<64x128xf32>, vector<128x128xf32> -> vector<128x128xf32>
    %jit3A_242 = arith.constant -1.000000e+30 : f32
    %broadcast_in_dim3A_243 = vector.broadcast %jit3A_242 : f32 to vector<128x128xf32>
    %select_n3A_244 = arith.select %lt3A_10, %dot_general3A_241, %broadcast_in_dim3A_243 : vector<128x128xi1>, vector<128x128xf32>
    %reduce_max3A_245 = arith.constant dense<0xFF800000> : vector<128xf32>
    %reduce_max3A_246 = vector.multi_reduction <maximumf>, %select_n3A_244, %reduce_max3A_245 [1] : vector<128x128xf32> to vector<128xf32>
    %broadcast_in_dim3A_247 = vector.shape_cast %reduce_max3A_246 : vector<128xf32> to vector<128x1xf32>
    %sub3A_248 = vector.broadcast %broadcast_in_dim3A_247 : vector<128x1xf32> to vector<128x128xf32>
    %sub3A_249 = arith.subf %select_n3A_244, %sub3A_248 : vector<128x128xf32>
    %exp3A_250 = math.exp %sub3A_249 : vector<128x128xf32>
    %reduce_sum3A_251 = arith.constant dense<0.000000e+00> : vector<128xf32>
    %reduce_sum3A_252 = vector.multi_reduction <add>, %exp3A_250, %reduce_sum3A_251 [1] : vector<128x128xf32> to vector<128xf32>
    %broadcast_in_dim3A_253 = vector.shape_cast %reduce_sum3A_252 : vector<128xf32> to vector<128x1xf32>
    %log3A_254 = math.log %broadcast_in_dim3A_253 : vector<128x1xf32>
    %add3A_255 = arith.addf %broadcast_in_dim3A_247, %log3A_254 : vector<128x1xf32>
    %eq3A_256 = vector.broadcast %get3A_13 : vector<128x1xi32> to vector<128x128xi32>
    %eq3A_257 = arith.cmpi eq, %iota3A, %eq3A_256 : vector<128x128xi32>
    %jit3A_258 = arith.constant 0.000000e+00 : f32
    %broadcast_in_dim3A_259 = vector.broadcast %jit3A_258 : f32 to vector<128x128xf32>
    %select_n3A_260 = arith.select %eq3A_257, %select_n3A_244, %broadcast_in_dim3A_259 : vector<128x128xi1>, vector<128x128xf32>
    %reduce_sum3A_261 = arith.constant dense<0.000000e+00> : vector<128xf32>
    %reduce_sum3A_262 = vector.multi_reduction <add>, %select_n3A_260, %reduce_sum3A_261 [1] : vector<128x128xf32> to vector<128xf32>
    %broadcast_in_dim3A_263 = vector.shape_cast %reduce_sum3A_262 : vector<128xf32> to vector<128x1xf32>
    %sub3A_264 = arith.subf %add3A_255, %broadcast_in_dim3A_263 : vector<128x1xf32>
    %get3A_265 = arith.constant 0 : index
    %get3A_266 = arith.constant 0 : index
    %get3A_267 = vector.load %arg9[%get3A_265, %get3A_266] : memref<128x1xf32, #tpu.memory_space<vmem>>, vector<128x1xf32>
    %get3A_268 = arith.constant 0 : index
    %get3A_269 = arith.constant 0 : index
    %get3A_270 = vector.load %arg7[%get3A_268, %get3A_269] : memref<128x8xf32, #tpu.memory_space<vmem>>, vector<128x8xf32>
    %get3A_271 = arith.constant 0 : index
    %get3A_272 = arith.constant 0 : index
    %get3A_273 = vector.load %arg8[%get3A_271, %get3A_272] : memref<128x8xi32, #tpu.memory_space<vmem>>, vector<128x8xi32>
    %broadcast_in_dim3A_274 = arith.constant 0.000000e+00 : f32
    %broadcast_in_dim3A_275 = vector.broadcast %broadcast_in_dim3A_274 : f32 to vector<128x1xf32>
    %broadcast_in_dim3A_276 = arith.constant 0.000000e+00 : f32
    %broadcast_in_dim3A_277 = vector.broadcast %broadcast_in_dim3A_276 : f32 to vector<128x1xf32>
    %slice3A = vector.extract_strided_slice %get3A_270 {offsets = [0, 0], sizes = [128, 1], strides = [1, 1]} : vector<128x8xf32> to vector<128x1xf32>
    %sub3A_278 = arith.subf %slice3A, %get3A_267 : vector<128x1xf32>
    %exp3A_279 = math.exp %sub3A_278 : vector<128x1xf32>
    %mul3A = arith.mulf %sub3A_32, %sub3A_278 : vector<128x1xf32>
    %add3A_280 = arith.addf %mul3A, %sub3A_32 : vector<128x1xf32>
    %mul3A_281 = arith.mulf %add3A_280, %exp3A_279 : vector<128x1xf32>
    %add3A_282 = arith.addf %broadcast_in_dim3A_275, %mul3A_281 : vector<128x1xf32>
    %add3A_283 = arith.addf %broadcast_in_dim3A_277, %exp3A_279 : vector<128x1xf32>
    %slice3A_284 = vector.extract_strided_slice %get3A_270 {offsets = [0, 1], sizes = [128, 1], strides = [1, 1]} : vector<128x8xf32> to vector<128x1xf32>
    %sub3A_285 = arith.subf %slice3A_284, %get3A_267 : vector<128x1xf32>
    %exp3A_286 = math.exp %sub3A_285 : vector<128x1xf32>
    %mul3A_287 = arith.mulf %sub3A_61, %sub3A_285 : vector<128x1xf32>
    %add3A_288 = arith.addf %mul3A_287, %sub3A_61 : vector<128x1xf32>
    %mul3A_289 = arith.mulf %add3A_288, %exp3A_286 : vector<128x1xf32>
    %add3A_290 = arith.addf %add3A_282, %mul3A_289 : vector<128x1xf32>
    %add3A_291 = arith.addf %add3A_283, %exp3A_286 : vector<128x1xf32>
    %slice3A_292 = vector.extract_strided_slice %get3A_270 {offsets = [0, 2], sizes = [128, 1], strides = [1, 1]} : vector<128x8xf32> to vector<128x1xf32>
    %sub3A_293 = arith.subf %slice3A_292, %get3A_267 : vector<128x1xf32>
    %exp3A_294 = math.exp %sub3A_293 : vector<128x1xf32>
    %mul3A_295 = arith.mulf %sub3A_90, %sub3A_293 : vector<128x1xf32>
    %add3A_296 = arith.addf %mul3A_295, %sub3A_90 : vector<128x1xf32>
    %mul3A_297 = arith.mulf %add3A_296, %exp3A_294 : vector<128x1xf32>
    %add3A_298 = arith.addf %add3A_290, %mul3A_297 : vector<128x1xf32>
    %add3A_299 = arith.addf %add3A_291, %exp3A_294 : vector<128x1xf32>
    %slice3A_300 = vector.extract_strided_slice %get3A_270 {offsets = [0, 3], sizes = [128, 1], strides = [1, 1]} : vector<128x8xf32> to vector<128x1xf32>
    %sub3A_301 = arith.subf %slice3A_300, %get3A_267 : vector<128x1xf32>
    %exp3A_302 = math.exp %sub3A_301 : vector<128x1xf32>
    %mul3A_303 = arith.mulf %sub3A_119, %sub3A_301 : vector<128x1xf32>
    %add3A_304 = arith.addf %mul3A_303, %sub3A_119 : vector<128x1xf32>
    %mul3A_305 = arith.mulf %add3A_304, %exp3A_302 : vector<128x1xf32>
    %add3A_306 = arith.addf %add3A_298, %mul3A_305 : vector<128x1xf32>
    %add3A_307 = arith.addf %add3A_299, %exp3A_302 : vector<128x1xf32>
    %slice3A_308 = vector.extract_strided_slice %get3A_270 {offsets = [0, 4], sizes = [128, 1], strides = [1, 1]} : vector<128x8xf32> to vector<128x1xf32>
    %sub3A_309 = arith.subf %slice3A_308, %get3A_267 : vector<128x1xf32>
    %exp3A_310 = math.exp %sub3A_309 : vector<128x1xf32>
    %mul3A_311 = arith.mulf %sub3A_148, %sub3A_309 : vector<128x1xf32>
    %add3A_312 = arith.addf %mul3A_311, %sub3A_148 : vector<128x1xf32>
    %mul3A_313 = arith.mulf %add3A_312, %exp3A_310 : vector<128x1xf32>
    %add3A_314 = arith.addf %add3A_306, %mul3A_313 : vector<128x1xf32>
    %add3A_315 = arith.addf %add3A_307, %exp3A_310 : vector<128x1xf32>
    %slice3A_316 = vector.extract_strided_slice %get3A_270 {offsets = [0, 5], sizes = [128, 1], strides = [1, 1]} : vector<128x8xf32> to vector<128x1xf32>
    %sub3A_317 = arith.subf %slice3A_316, %get3A_267 : vector<128x1xf32>
    %exp3A_318 = math.exp %sub3A_317 : vector<128x1xf32>
    %mul3A_319 = arith.mulf %sub3A_177, %sub3A_317 : vector<128x1xf32>
    %add3A_320 = arith.addf %mul3A_319, %sub3A_177 : vector<128x1xf32>
    %mul3A_321 = arith.mulf %add3A_320, %exp3A_318 : vector<128x1xf32>
    %add3A_322 = arith.addf %add3A_314, %mul3A_321 : vector<128x1xf32>
    %add3A_323 = arith.addf %add3A_315, %exp3A_318 : vector<128x1xf32>
    %slice3A_324 = vector.extract_strided_slice %get3A_270 {offsets = [0, 6], sizes = [128, 1], strides = [1, 1]} : vector<128x8xf32> to vector<128x1xf32>
    %sub3A_325 = arith.subf %slice3A_324, %get3A_267 : vector<128x1xf32>
    %exp3A_326 = math.exp %sub3A_325 : vector<128x1xf32>
    %mul3A_327 = arith.mulf %sub3A_206, %sub3A_325 : vector<128x1xf32>
    %add3A_328 = arith.addf %mul3A_327, %sub3A_206 : vector<128x1xf32>
    %mul3A_329 = arith.mulf %add3A_328, %exp3A_326 : vector<128x1xf32>
    %add3A_330 = arith.addf %add3A_322, %mul3A_329 : vector<128x1xf32>
    %add3A_331 = arith.addf %add3A_323, %exp3A_326 : vector<128x1xf32>
    %slice3A_332 = vector.extract_strided_slice %get3A_270 {offsets = [0, 7], sizes = [128, 1], strides = [1, 1]} : vector<128x8xf32> to vector<128x1xf32>
    %sub3A_333 = arith.subf %slice3A_332, %get3A_267 : vector<128x1xf32>
    %exp3A_334 = math.exp %sub3A_333 : vector<128x1xf32>
    %mul3A_335 = arith.mulf %sub3A_235, %sub3A_333 : vector<128x1xf32>
    %add3A_336 = arith.addf %mul3A_335, %sub3A_235 : vector<128x1xf32>
    %mul3A_337 = arith.mulf %add3A_336, %exp3A_334 : vector<128x1xf32>
    %add3A_338 = arith.addf %add3A_330, %mul3A_337 : vector<128x1xf32>
    %add3A_339 = arith.addf %add3A_331, %exp3A_334 : vector<128x1xf32>
    %get3A_340 = arith.constant 0 : index
    %get3A_341 = arith.constant 0 : index
    %get3A_342 = vector.load %arg11[%get3A_340, %get3A_341] : memref<128x1xf32, #tpu.memory_space<vmem>>, vector<128x1xf32>
    %sub3A_343 = arith.subf %get3A_342, %add3A_339 : vector<128x1xf32>
    %get3A_344 = arith.constant 0 : index
    %get3A_345 = arith.constant 0 : index
    %get3A_346 = vector.load %arg16[%get3A_344, %get3A_345] : memref<128x1xi32, #tpu.memory_space<vmem>>, vector<128x1xi32>
    %eq3A_347 = vector.broadcast %get3A_346 : vector<128x1xi32> to vector<128x8xi32>
    %eq3A_348 = arith.cmpi eq, %get3A_273, %eq3A_347 : vector<128x8xi32>
    %concatenate3A = tpu.concatenate %sub3A_32, %sub3A_61, %sub3A_90, %sub3A_119, %sub3A_148, %sub3A_177, %sub3A_206, %sub3A_235 in 1 : vector<128x1xf32>, vector<128x1xf32>, vector<128x1xf32>, vector<128x1xf32>, vector<128x1xf32>, vector<128x1xf32>, vector<128x1xf32>, vector<128x1xf32> -> vector<128x8xf32>
    %jit3A_349 = arith.constant 0.000000e+00 : f32
    %broadcast_in_dim3A_350 = vector.broadcast %jit3A_349 : f32 to vector<128x8xf32>
    %select_n3A_351 = arith.select %eq3A_348, %concatenate3A, %broadcast_in_dim3A_350 : vector<128x8xi1>, vector<128x8xf32>
    %reduce_sum3A_352 = arith.constant dense<0.000000e+00> : vector<128xf32>
    %reduce_sum3A_353 = vector.multi_reduction <add>, %select_n3A_351, %reduce_sum3A_352 [1] : vector<128x8xf32> to vector<128xf32>
    %broadcast_in_dim3A_354 = vector.shape_cast %reduce_sum3A_353 : vector<128xf32> to vector<128x1xf32>
    %jit3A_355 = arith.constant 0.000000e+00 : f32
    %broadcast_in_dim3A_356 = vector.broadcast %jit3A_355 : f32 to vector<128x8xf32>
    %select_n3A_357 = arith.select %eq3A_348, %get3A_270, %broadcast_in_dim3A_356 : vector<128x8xi1>, vector<128x8xf32>
    %reduce_sum3A_358 = arith.constant dense<0.000000e+00> : vector<128xf32>
    %reduce_sum3A_359 = vector.multi_reduction <add>, %select_n3A_357, %reduce_sum3A_358 [1] : vector<128x8xf32> to vector<128xf32>
    %broadcast_in_dim3A_360 = vector.shape_cast %reduce_sum3A_359 : vector<128xf32> to vector<128x1xf32>
    %sub3A_361 = arith.subf %broadcast_in_dim3A_360, %get3A_267 : vector<128x1xf32>
    %get3A_362 = arith.constant 0 : index
    %get3A_363 = arith.constant 0 : index
    %get3A_364 = vector.load %arg12[%get3A_362, %get3A_363] : memref<128x1xf32, #tpu.memory_space<vmem>>, vector<128x1xf32>
    %get3A_365 = arith.constant 0 : index
    %get3A_366 = arith.constant 0 : index
    %get3A_367 = vector.load %arg14[%get3A_365, %get3A_366] : memref<128x1xf32, #tpu.memory_space<vmem>>, vector<128x1xf32>
    %get3A_368 = arith.constant 0 : index
    %get3A_369 = arith.constant 0 : index
    %get3A_370 = vector.load %arg13[%get3A_368, %get3A_369] : memref<128x1xi32, #tpu.memory_space<vmem>>, vector<128x1xi32>
    %sub3A_371 = arith.subf %get3A_367, %get3A_267 : vector<128x1xf32>
    %sub3A_372 = arith.subf %get3A_364, %sub3A_371 : vector<128x1xf32>
    %sub3A_373 = arith.subf %get3A_367, %get3A_267 : vector<128x1xf32>
    %exp3A_374 = math.exp %sub3A_373 : vector<128x1xf32>
    %add3A_375 = arith.constant 9.99999996E-13 : f32
    %add3A_376 = vector.broadcast %add3A_375 : f32 to vector<128x1xf32>
    %add3A_377 = arith.addf %exp3A_374, %add3A_376 : vector<128x1xf32>
    %add3A_378 = arith.constant 9.99999996E-13 : f32
    %add3A_379 = vector.broadcast %add3A_378 : f32 to vector<128x1xf32>
    %add3A_380 = arith.addf %sub3A_343, %add3A_379 : vector<128x1xf32>
    %div3A = arith.divf %add3A_377, %add3A_380 : vector<128x1xf32>
    %add3A_381 = arith.constant 9.99999968E-21 : f32
    %add3A_382 = vector.broadcast %add3A_381 : f32 to vector<128x1xf32>
    %add3A_383 = arith.addf %div3A, %add3A_382 : vector<128x1xf32>
    %log3A_384 = math.log %add3A_383 : vector<128x1xf32>
    %add3A_385 = arith.addf %log3A_384, %sub3A_372 : vector<128x1xf32>
    %broadcast_in_dim3A_386 = arith.constant 9.99999968E-21 : f32
    %broadcast_in_dim3A_387 = vector.broadcast %broadcast_in_dim3A_386 : f32 to vector<128x1xf32>
    %log3A_388 = math.log %broadcast_in_dim3A_387 : vector<128x1xf32>
    %get3A_389 = arith.constant 0 : index
    %get3A_390 = arith.constant 0 : index
    %get3A_391 = vector.load %arg15[%get3A_389, %get3A_390] : memref<128x1xf32, #tpu.memory_space<vmem>>, vector<128x1xf32>
    %add3A_392 = arith.addf %log3A_388, %get3A_391 : vector<128x1xf32>
    %gt3A = arith.cmpf ogt, %add3A_385, %add3A_392 : vector<128x1xf32>
    %eq3A_393 = arith.cmpf oeq, %add3A_385, %add3A_392 : vector<128x1xf32>
    %lt3A_394 = arith.cmpi slt, %get3A_370, %get3A_346 : vector<128x1xi32>
    %and3A = arith.andi %eq3A_393, %lt3A_394 : vector<128x1xi1>
    %or3A = arith.ori %gt3A, %and3A : vector<128x1xi1>
    %select_n3A_395 = arith.select %or3A, %sub3A_264, %broadcast_in_dim3A_354 : vector<128x1xi1>, vector<128x1xf32>
    %sub3A_396 = arith.subf %get3A_367, %get3A_267 : vector<128x1xf32>
    %select_n3A_397 = arith.select %or3A, %sub3A_396, %sub3A_361 : vector<128x1xi1>, vector<128x1xf32>
    %mul3A_398 = arith.mulf %select_n3A_395, %select_n3A_397 : vector<128x1xf32>
    %add3A_399 = arith.addf %mul3A_398, %select_n3A_395 : vector<128x1xf32>
    %mul3A_400 = arith.mulf %add3A_399, %sub3A_343 : vector<128x1xf32>
    %add3A_401 = arith.addf %mul3A_400, %add3A_338 : vector<128x1xf32>
    %reduce_sum3A_402 = vector.shape_cast %add3A_401 : vector<128x1xf32> to vector<1x128x1xf32>
    %reduce_sum3A_403 = arith.constant dense<0.000000e+00> : vector<1xf32>
    %reduce_sum3A_404 = vector.multi_reduction <add>, %reduce_sum3A_402, %reduce_sum3A_403 [1, 2] : vector<1x128x1xf32> to vector<1xf32>
    %reduce_sum3A_405 = vector.shape_cast %reduce_sum3A_404 : vector<1xf32> to vector<1x1x1xf32>
    %reduce_sum3A_406 = vector.extract %reduce_sum3A_405[0, 0, 0] : f32 from vector<1x1x1xf32>
    %div3A_407 = arith.constant 1.280000e+02 : f32
    %div3A_408 = arith.divf %reduce_sum3A_406, %div3A_407 : f32
    %get3A_409 = arith.constant 0 : index
    %get3A_410 = arith.constant 0 : index
    %get3A_411 = vector.load %arg10[%get3A_409, %get3A_410] : memref<128x1xf32, #tpu.memory_space<vmem>>, vector<128x1xf32>
    %reduce_sum3A_412 = vector.shape_cast %get3A_411 : vector<128x1xf32> to vector<1x128x1xf32>
    %reduce_sum3A_413 = arith.constant dense<0.000000e+00> : vector<1xf32>
    %reduce_sum3A_414 = vector.multi_reduction <add>, %reduce_sum3A_412, %reduce_sum3A_413 [1, 2] : vector<1x128x1xf32> to vector<1xf32>
    %reduce_sum3A_415 = vector.shape_cast %reduce_sum3A_414 : vector<1xf32> to vector<1x1x1xf32>
    %reduce_sum3A_416 = vector.extract %reduce_sum3A_415[0, 0, 0] : f32 from vector<1x1x1xf32>
    %div3A_417 = arith.constant 1.280000e+02 : f32
    %div3A_418 = arith.divf %reduce_sum3A_416, %div3A_417 : f32
    %mul3A_419 = arith.constant 0.00999999977 : f32
    %mul3A_420 = arith.mulf %mul3A_419, %div3A_418 : f32
    %sub3A_421 = arith.subf %div3A_408, %mul3A_420 : f32
    %broadcast_in_dim3A_422 = arith.constant 1.000000e+00 : f32
    %broadcast_in_dim3A_423 = vector.broadcast %broadcast_in_dim3A_422 : f32 to vector<8x128xf32>
    %mul3A_424 = vector.broadcast %sub3A_421 : f32 to vector<8x128xf32>
    %mul3A_425 = arith.mulf %mul3A_424, %broadcast_in_dim3A_423 : vector<8x128xf32>
    %swap3A = arith.constant 0 : index
    %swap3A_426 = arith.constant 0 : index
    %swap3A_427 = vector.load %arg17[%swap3A, %swap3A_426] : memref<8x128xf32, #tpu.memory_space<vmem>>, vector<8x128xf32>
    tpu.vector_store %arg17[%swap3A, %swap3A_426], %mul3A_425 {strides = array<i32>} : memref<8x128xf32, #tpu.memory_space<vmem>>, vector<8x128xf32>,
    return
  }
  func.func @transform_0(%arg0: i32) -> (i32, i32) {
    %c0_i32 = arith.constant 0 : i32
    %c0_i32_0 = arith.constant 0 : i32
    %c0_i32_1 = arith.constant 0 : i32
    return %c0_i32, %c0_i32_0 : i32, i32
  }
  func.func @transform_1(%arg0: i32) -> (i32, i32) {
    %c0_i32 = arith.constant 0 : i32
    %c0_i32_0 = arith.constant 0 : i32
    %c0_i32_1 = arith.constant 0 : i32
    return %c0_i32, %c0_i32_0 : i32, i32
  }
  func.func @transform_2(%arg0: i32) -> (i32, i32) {
    %c0_i32 = arith.constant 0 : i32
    %c0_i32_0 = arith.constant 0 : i32
    %c0_i32_1 = arith.constant 0 : i32
    return %c0_i32, %c0_i32_0 : i32, i32
  }
  func.func @transform_3(%arg0: i32) -> (i32, i32) {
    %c0_i32 = arith.constant 0 : i32
    %c0_i32_0 = arith.constant 0 : i32
    %c0_i32_1 = arith.constant 0 : i32
    return %c0_i32, %c0_i32_0 : i32, i32
  }
  func.func @transform_4(%arg0: i32) -> (i32, i32) {
    %c0_i32 = arith.constant 0 : i32
    %c0_i32_0 = arith.constant 0 : i32
    %c0_i32_1 = arith.constant 0 : i32
    return %c0_i32, %c0_i32_0 : i32, i32
  }
  func.func @transform_5(%arg0: i32) -> (i32, i32) {
    %c0_i32 = arith.constant 0 : i32
    %c0_i32_0 = arith.constant 0 : i32
    %c0_i32_1 = arith.constant 0 : i32
    return %c0_i32, %c0_i32_0 : i32, i32
  }
  func.func @transform_6(%arg0: i32) -> (i32, i32) {
    %c0_i32 = arith.constant 0 : i32
    %c0_i32_0 = arith.constant 0 : i32
    %c0_i32_1 = arith.constant 0 : i32
    return %c0_i32, %c0_i32_0 : i32, i32
  }
  func.func @transform_7(%arg0: i32) -> (i32, i32) {
    %c0_i32 = arith.constant 0 : i32
    %c0_i32_0 = arith.constant 0 : i32
    %c0_i32_1 = arith.constant 0 : i32
    return %c0_i32, %c0_i32_0 : i32, i32
  }
  func.func @transform_8(%arg0: i32) -> (i32, i32) {
    %c0_i32 = arith.constant 0 : i32
    %c0_i32_0 = arith.constant 0 : i32
    %c0_i32_1 = arith.constant 0 : i32
    return %c0_i32, %c0_i32_0 : i32, i32
  }
  func.func @transform_9(%arg0: i32) -> (i32, i32) {
    %c0_i32 = arith.constant 0 : i32
    %c0_i32_0 = arith.constant 0 : i32
    %c0_i32_1 = arith.constant 0 : i32
    return %c0_i32, %c0_i32_0 : i32, i32
  }
  func.func @transform_10(%arg0: i32) -> (i32, i32) {
    %c0_i32 = arith.constant 0 : i32
    %c0_i32_0 = arith.constant 0 : i32
    %c0_i32_1 = arith.constant 0 : i32
    return %c0_i32, %c0_i32_0 : i32, i32
  }
  func.func @transform_11(%arg0: i32) -> (i32, i32) {
    %c0_i32 = arith.constant 0 : i32
    %c0_i32_0 = arith.constant 0 : i32
    %c0_i32_1 = arith.constant 0 : i32
    return %c0_i32, %c0_i32_0 : i32, i32
  }
  func.func @transform_12(%arg0: i32) -> (i32, i32) {
    %c0_i32 = arith.constant 0 : i32
    %c0_i32_0 = arith.constant 0 : i32
    %c0_i32_1 = arith.constant 0 : i32
    return %c0_i32, %c0_i32_0 : i32, i32
  }
  func.func @transform_13(%arg0: i32) -> (i32, i32) {
    %c0_i32 = arith.constant 0 : i32
    %c0_i32_0 = arith.constant 0 : i32
    %c0_i32_1 = arith.constant 0 : i32
    return %c0_i32, %c0_i32_0 : i32, i32
  }
  func.func @transform_14(%arg0: i32) -> (i32, i32) {
    %c0_i32 = arith.constant 0 : i32
    %c0_i32_0 = arith.constant 0 : i32
    %c0_i32_1 = arith.constant 0 : i32
    return %c0_i32, %c0_i32_0 : i32, i32
  }
  func.func @transform_15(%arg0: i32) -> (i32, i32) {
    %c0_i32 = arith.constant 0 : i32
    %c0_i32_0 = arith.constant 0 : i32
    %c0_i32_1 = arith.constant 0 : i32
    return %c0_i32, %c0_i32_0 : i32, i32
  }
  func.func @transform_16(%arg0: i32) -> (i32, i32) {
    %c0_i32 = arith.constant 0 : i32
    %c0_i32_0 = arith.constant 0 : i32
    %c0_i32_1 = arith.constant 0 : i32
    return %c0_i32, %c0_i32_0 : i32, i32
  }
}

</mosaic_0001>

<sc_bundles>
// kernel: kernel.6.cloned.1.call-start
scs
__scs_entry_jumppad:
0x0: {  	(pc) =	sbr.rel $0x88, $3  }
0x1: {  	(tag) =	ssettag $0x0;
	lr =	simm.s32 $0x1  }
0x2: {  	[smem:$0x3F9A] =	sst lr;
	_ =	strace $0xD0000000  }
0x3: {  	_ = 	snop  }
0x4: {  	_ = 	snop  }
0x5: {  	_ = 	snop  }
0x6: {  	_ = 	snop  }
0x7: {  	_ = 	snop  }
__scs_overlays_trampoline_lowered:
0x8: {  	[smem:$0x3FA9] =	sst s0  }
0x9: {  	[smem:$0x3FAA] =	sst s1  }
0xa: {  	[smem:$0x3FAB] =	sst s2  }
0xb: {  	[smem:$0x3FAC] =	sst s3  }
0xc: {  	[smem:$0x3FAD] =	sst s4  }
0xd: {  	[smem:$0x3FAE] =	sst s5  }
0xe: {  	[smem:$0x3FAF] =	sst s6  }
0xf: {  	[smem:$0x3FB0] =	sst s7  }
0x10: {  	[smem:$0x3FB1] =	sst s8  }
0x11: {  	[smem:$0x3FB2] =	sst s9;
	s0 =	simm.s32 @!p0 $0x0  }
0x12: {  	s1 =	sld [smem:$0x3F98];
	s0 =	simm.s32 @p0 $0x1  }
0x13: {  	[smem:$0x3FB3] =	sst s0;
	s0 =	simm.s32 @!p1 $0x0  }
0x14: {  	s2 =	sld [smem:$0x3F97];
	s0 =	simm.s32 @p1 $0x1  }
0x15: {  	[smem:$0x3FB4] =	sst s0;
	s0 =	simm.s32 @!p2 $0x0  }
0x16: {  	s3 =	sld [smem:$0x3FDB];
	s0 =	simm.s32 @p2 $0x1  }
0x17: {  	s4 =	simm.s32 $0x1BF5;
	[smem:$0x3FB6] =	sst s0  }
0x18: {  	s0 =	sld [smem:$0x3F99];
	_ =	swait.ge [sflag:s4], $0x0  }
0x19: {  	s7 =	sld [smem:$0x3F9A]  }
0x1a: {  	s8 =	sadd.s32 $0xFFFFE003, lr  }
0x1b: {  	s9 =	sadd.s32 $0xFFFFFEF7, lr;
	s5 =	simm.s32 $0xFFFFFFFF;
	p2 =	slt.u32 s8, $0xFFFFF086  }
0x1c: {  	p1 =	slt.u32 s9, $0xF7A;
	s5 =	simm.s32 @!p2 $0x0  }
0x1d: {  	s5 =	simm.s32 @p1 $0x1;
	p0 =	seq.s32 s7, s2  }
0x1e: {  	s7 =	smul.u32 @!p0 $0xF7A, s2;
	p2 =	seq.s32 @!p0 s5, $0x0  }
0x1f: {  	s9 =	smul.u32 $0xF7A, s1;
	s8 =	simm.s32 @!p0 $0x1BF5;
	p2 =	por !p2, p0  }
0x20: {  	[sflag:s8] =	ssyncset.s32 @!p0 $0xFFFFF086;
	s6 =	sadd.s32 @!p0 s3, s7;
	s7 =	simm.s32 @!p0 $0x108  }
0x21: {  	s3 =	sadd.s32 s3, s9;
	s6 =	sadd.s32 @!p0 $0x88, s6;
	s7 =	simm.s32 @p2 $0x1082  }
0x22: {  	[simem:s7], [sflag:s8] =	dma.local @!p0 [hbm:s6], $0xF7A  }
0x23: {  	s9 =	sor.u32 $0xD0000000, s2;
	s6 =	simm.s32 $0x108;
	_ =	swait.ge @!p0 [sflag:s8], $0x0  }
0x24: {  	s3 =	sadd.s32 $0x88, s3;
	s6 =	simm.s32 @!p1 $0x1082;
	[sflag:s4] =	ssyncset.s32 $0xFFFFF086  }
0x25: {  	[simem:s6], [sflag:s4] =	dma.local [hbm:s3], $0xF7A  }
0x26: {  	[smem:$0x3F9A] =	sst s1;
	(tag) =	ssettag s2;
	_ =	strace s9  }
0x27: {  	s1 =	sld [smem:$0x3FAA]  }
0x28: {  	s2 =	sld [smem:$0x3FAB]  }
0x29: {  	s4 =	sld [smem:$0x3FAD]  }
0x2a: {  	p0 =	seq.s32 s5, $0x0;
	s5 =	sld [smem:$0x3FAE]  }
0x2b: {  	s6 =	sld [smem:$0x3FAF]  }
0x2c: {  	s7 =	sld [smem:$0x3FB0]  }
0x2d: {  	s3 =	simm.s32 $0x108;
	s8 =	sld [smem:$0x3FB1]  }
0x2e: {  	s3 =	simm.s32 @!p0 $0x1082;
	s9 =	sld [smem:$0x3FB2]  }
0x2f: {  	lr =	sadd.s32 s0, s3;
	s0 =	sld [smem:$0x3FA9]  }
0x30: {  	s3 =	sld [smem:$0x3FAC]  }
0x31: {  	[smem:$0x3FB5] =	sst s10  }
0x32: {  	s10 =	sld [smem:$0x3FB3];
	_ =	sdelay $0x3  }
0x33: {  	p0 =	seq.s32 s10, $0x1;
	s10 =	sld [smem:$0x3FB5];
	_ =	sdelay $0x3  }
0x34: {  	[smem:$0x3FB5] =	sst s10  }
0x35: {  	s10 =	sld [smem:$0x3FB4];
	_ =	sdelay $0x3  }
0x36: {  	p1 =	seq.s32 s10, $0x1;
	s10 =	sld [smem:$0x3FB5];
	_ =	sdelay $0x3  }
0x37: {  	[smem:$0x3FB5] =	sst s10  }
0x38: {  	s10 =	sld [smem:$0x3FB6]  }
0x39: {  	_ = 	snop;
	(pc) =	sbr.ind lr, $3  }
0x3a: {  	_ = 	snop  }
0x3b: {  	_ = 	snop  }
0x3c: {  	p2 =	seq.s32 s10, $0x1;
	s10 =	sld [smem:$0x3FB5]  }
0x3d: {  	_ =	shalt  }
0x3e: {  	_ =	shalt  }
0x3f: {  	_ =	shalt  }
0x40: {  	_ =	shalt  }
0x41: {  	_ =	shalt  }
0x42: {  	_ =	shalt  }
0x43: {  	_ =	shalt  }
0x44: {  	_ =	shalt  }
0x45: {  	_ =	shalt  }
0x46: {  	_ =	shalt  }
0x47: {  	_ =	shalt  }
0x48: {  	_ =	shalt  }
0x49: {  	_ =	shalt  }
0x4a: {  	_ =	shalt  }
0x4b: {  	_ =	shalt  }
0x4c: {  	_ =	shalt  }
0x4d: {  	_ =	shalt  }
0x4e: {  	_ =	shalt  }
0x4f: {  	_ =	shalt  }
0x50: {  	_ =	shalt  }
0x51: {  	_ =	shalt  }
0x52: {  	_ =	shalt  }
0x53: {  	_ =	shalt  }
0x54: {  	_ =	shalt  }
0x55: {  	_ =	shalt  }
0x56: {  	_ =	shalt  }
0x57: {  	_ =	shalt  }
0x58: {  	_ =	shalt  }
0x59: {  	_ =	shalt  }
0x5a: {  	_ =	shalt  }
0x5b: {  	_ =	shalt  }
0x5c: {  	_ =	shalt  }
0x5d: {  	_ =	shalt  }
0x5e: {  	_ =	shalt  }
0x5f: {  	_ =	shalt  }
0x60: {  	_ =	shalt  }
0x61: {  	_ =	shalt  }
0x62: {  	_ =	shalt  }
0x63: {  	_ =	shalt  }
0x64: {  	_ =	shalt  }
0x65: {  	_ =	shalt  }
0x66: {  	_ =	shalt  }
0x67: {  	_ =	shalt  }
0x68: {  	_ =	shalt  }
0x69: {  	_ =	shalt  }
0x6a: {  	_ =	shalt  }
0x6b: {  	_ =	shalt  }
0x6c: {  	_ =	shalt  }
0x6d: {  	_ =	shalt  }
0x6e: {  	_ =	shalt  }
0x6f: {  	_ =	shalt  }
0x70: {  	_ =	shalt  }
0x71: {  	_ =	shalt  }
0x72: {  	_ =	shalt  }
0x73: {  	_ =	shalt  }
0x74: {  	_ =	shalt  }
0x75: {  	_ =	shalt  }
0x76: {  	_ =	shalt  }
0x77: {  	_ =	shalt  }
0x78: {  	_ =	shalt  }
0x79: {  	_ =	shalt  }
0x7a: {  	_ =	shalt  }
0x7b: {  	_ =	shalt  }
0x7c: {  	_ =	shalt  }
0x7d: {  	_ =	shalt  }
0x7e: {  	_ =	shalt  }
0x7f: {  	_ =	shalt  }
0x80: {  	_ =	shalt  }
0x81: {  	_ =	shalt  }
0x82: {  	_ =	shalt  }
0x83: {  	_ =	shalt  }
0x84: {  	_ =	shalt  }
0x85: {  	_ =	shalt  }
0x86: {  	_ =	shalt  }
0x87: {  	_ =	shalt  }
.Lfunc_end0:
.L_simem_size_0:
called_computation_lowered:
.L_overlay_start_0:
0x88: {  	s2 =	sld [smem:$0x3FD9]  }
0x89: {  	s3 =	sld [smem:$0x3FFE];
	_ =	sdelay $0x1  }
0x8a: {  	s1 =	srdreg.scid  }
0x8b: {  	s0 =	sand.u32 $0x1, s1  }
0x8c: {  	s16 =	sshll.u32 s0, $0xA;
	s2 =	sadd.s32 s3, s2  }
0x8d: {  	s2 =	sadd.s32 s2, s16  }
0x8e: {  	[smem:$0x3FC1] =	sst s2  }
0x8f: {  	_ = 	snop  }
0x90: {  	(tm) =	ssettm $0x1  }
0x91: {  	s17 =	sld [smem:$0x3FFB];
	_ =	sdelay $0x3  }
0x92: {  	_ =	strace s17  }
0x93: {  	s2 =	sld [smem:$0x3FFC];
	_ =	sdelay $0x3  }
0x94: {  	_ =	strace s2  }
0x95: {  	s2 =	sld [smem:$0x3FFD];
	_ =	sdelay $0x3  }
0x96: {  	_ =	strace s2  }
0x97: {  	_ =	strace $0x8FFFFFFF  }
0x98: {  	s18 =	sld [smem:$0x3FDB];
	_ =	sdelay $0x1  }
0x99: {  	s19 =	simm.s32 $_scs_section_size  }
0x9a: {  	s4 =	simm.s32 $_size__tile_overlayer_lowered;
	s5 =	simm.s32 $_tile_overlayer_lowered  }
0x9b: {  	s22 =	simm.s32 $0x1BFF;
	s21 =	sshll.u32 s5, $0x1;
	s2 =	sadd.s32 s19, s18  }
0x9c: {  	s6 =	simm.s32 $0x0;
	s20 =	sshll.u32 s4, $0x1;
	s4 =	sadd.s32 s21, s2  }
0x9d: {  	[timem:s6], [sflag:s22] =	dma.local [hbm:s4], s20  }
0x9e: {  	_ =	swait.ge [sflag:s22], s20  }
0x9f: {  	s3 =	ssub.s32 $0x0, s20;
	[sflag:s22] =	ssyncset.done $0x0  }
0xa0: {  	[sflag:s22] =	ssyncadd.s32 s3;
	_ =	sdelay $0x1  }
0xa1: {  	s23 =	simm.s32 $0x1B8B  }
0xa2: {  	_ =	swait.ge [sflag:s23], $0x1  }
0xa3: {  	[sflag:s23] =	ssyncset.done $0x0  }
0xa4: {  	s25 =	simm.s32 $0x1B8E;
	s24 =	sld [smem:$0x3FFE];
	[sflag:s23] =	ssyncadd.s32 $0xFFFFFFFF  }
0xa5: {  	s26 =	simm.s32 $execute0_lowered;
	[smem:$0x3FD2] =	sst s25  }
0xa6: {  	s4 =	sshll.u32 s26, $0x1;
	_ =	strace $0x80000046;
	[dreg:$0x1] =	wrdreg $0xFFFFFFFF  }
0xa7: {  	s28 =	simm.s32 $_size_execute0_lowered;
	s2 =	sadd.s32 s2, s4;
	[dreg:$0x0] =	wrdreg $0x0  }
0xa8: {  	s4 =	sshll.u32 s28, $0x1;
	[dreg:$0x2] =	wrdreg s2  }
0xa9: {  	[dreg:$0x3] =	wrdreg s4  }
0xaa: {  	[dreg:$0x4] =	wrdreg $0xC0  }
0xab: {  	_ =	task [dreg:s6], $0x5FFFF  }
0xac: {  	[dreg:$0x1] =	wrdreg $0xFFFFFFFF  }
0xad: {  	[dreg:$0x0] =	wrdreg $0x60  }
0xae: {  	[dreg:$0x2] =	wrdreg s24  }
0xaf: {  	[dreg:$0x3] =	wrdreg $0x9  }
0xb0: {  	_ =	task.clear_ibuf [dreg:s6], $0x4FFFF;
	_ =	strace $0x90000046  }
0xb1: {  	s29 =	simm.s32 $0x9;
	_ =	strace $0x80000048  }
0xb2: {  	_ =	swait.ge [sflag:s29], $0x1  }
0xb3: {  	[sflag:s29] =	ssyncadd.s32 $0xFFFFFFFF  }
0xb4: {  	_ =	strace $0x90000048  }
0xb5: {  	_ =	sfence  }
0xb6: {  	s30 =	sld [smem:$0x0];
	_ =	sdelay $0x2  }
0xb7: {  	s31 =	sshll.u32 s1, $0xD;
	s1 =	sshrl.u32 s1, $0x2  }
0xb8: {  	s3 =	sand.u32 $0x4000, s31;
	s1 =	sadd.s32 s1, s30  }
0xb9: {  	s0 =	sor.u32 s3, s0;
	s1 =	sshll.u32 s1, $0x11  }
0xba: {  	s0 =	sor.u32 s1, s0  }
0xbb: {  	s0 =	sadd.s32 $0x8F2B, s0  }
0xbc: {  	[sflag:s0] =	ssyncadd.remote.s32 $0x1  }
0xbd: {  	_ =	sfence.sel $0xFFFF  }
0xbe: {  	[dreg:$0x0] =	wrdreg $0xFFFFFFFF;
	(pc) =	sbr.abs _section_cstart, $3  }
0xbf: {  	[dreg:$0x1] =	wrdreg $0xFFFFFFFF  }
0xc0: {  	_ =	task.clear_ibuf [dreg:s6], $0x2FFFF;
	_ =	strace $0x9FFFFFFF  }
0xc1: {  	(tm) =	ssettm $0x7FFFFFFF  }
tec
execute0_lowered:
.L_overlay_start_1:
0x0: {  	(tag) =	ssettag $0x1  }
0x1: {  	s1 =	srdreg.scid;
	s0 =	stileid.u32  }
0x2: {  	s6 =	sand.u32 $0x1, s1;
	s30 =	sshll.u32 s0, $0x1  }
0x3: {  	s8 =	rddreg [dreg:$0x0];
	s7 =	sor.u32 s6, s30  }
0x4: {  	s2 =	simm.s32 $0x0;
	s1 =	rddreg [dreg:$0x1];
	s3 =	smul.u32 $0x5, s7  }
0x5: {  	[smem:$0x7FF] =	sst s2;
	s5 =	sadd.s32 $0x187800, s8  }
0x6: {  	_ =	strace $0x80000047;
	s10 =	ssub.s32 $0x2, s6;
	s3 =	sadd.s32 s3, s8  }
0x7: {  	s6 =	simm.s32 $0x28;
	s4 =	sadd.s32 $0xE00, s3;
	s3 =	simm.s32 $0x2  }
0x8: {  	[tilespmem:s2], [sflag:$0x2] =	stream.linear.gather [hbm4b:s4+s2], $0x28, $0x38;
	[tilespmem:$0xA28] =	vst v63  }
0x9: {  	s9 =	smul.u32 $0x140, s7;
	s11 =	sshrl.u32 s10, $0x1;
	_ =	swait.ge [sflag:s3], $0x28  }
0xa: {  	s7 =	simm.s32 $0x1;
	s31 =	ssub.s32 s10, s11;
	[sflag:s3] =	ssyncset.done $0x0  }
0xb: {  	s8 =	sadd.s32 s9, s8;
	s9 =	smax.u32 s31, $0x1;
	[sflag:s3] =	ssyncadd.s32 $0xFFFFFFD8  }
0xc: {  	[tilespmem:s6], [sflag:$0x1] =	stream.indirect.gather [hbm4b:s5+s6], $0x40, s2, s6, $0xb8;
	[tilespmem:$0xA28] =	vst v63  }
0xd: {  	p0 =	sne.s32 s9, $0x1;
	_ =	swait.ge [sflag:s7], $0xA00  }
.Ltmp0:
0xe: {  	[sflag:s7] =	ssyncset.done $0x0;
	(pc) =	sbr.rel @!p0 .LBB2_2-.Ltmp0, $4  }
0xf: {  	s8 =	sadd.s32 $0x1000, s8;
	[sflag:s7] =	ssyncadd.s32 $0xFFFFF600  }
0x10: {  	[hbm4b:s8+s2] =	stream.linear.scatter [tilespmem:s6], [sflag:$0x2], $0xA00, $0x38;
	[tilespmem:$0xA28] =	vst v63  }
0x11: {  	_ =	swait.ge [sflag:s3], $0xA00  }
0x12: {  	s9 =	sadd.s32 $0xFFFFFFFF, s9;
	[sflag:s3] =	ssyncset.done $0x0  }
.LBB2_1:
0x13: {  	p0 =	sne.s32 s9, $0x1;
	s9 =	sadd.s32 $0xFFFFFFFF, s9;
	[sflag:s3] =	ssyncadd.s32 $0xFFFFF600  }
0x14: {  	[tilespmem:s2], [sflag:$0x2] =	stream.linear.gather [hbm4b:s4+s2], $0x28, $0x38;
	[tilespmem:$0xA28] =	vst v63  }
0x15: {  	_ =	swait.ge [sflag:s3], $0x28  }
0x16: {  	[sflag:s3] =	ssyncset.done $0x0  }
0x17: {  	[sflag:s3] =	ssyncadd.s32 $0xFFFFFFD8  }
0x18: {  	[tilespmem:s6], [sflag:$0x1] =	stream.indirect.gather [hbm4b:s5+s6], $0x40, s2, s6, $0xb8;
	[tilespmem:$0xA28] =	vst v63  }
0x19: {  	_ =	swait.ge [sflag:s7], $0xA00  }
.Ltmp1:
0x1a: {  	[sflag:s7] =	ssyncset.done $0x0;
	(pc) =	sbr.rel @p0 .LBB2_1-.Ltmp1, $4  }
0x1b: {  	[sflag:s7] =	ssyncadd.s32 $0xFFFFF600  }
0x1c: {  	[hbm4b:s8+s2] =	stream.linear.scatter [tilespmem:s6], [sflag:$0x2], $0xA00, $0x38;
	[tilespmem:$0xA28] =	vst v63  }
0x1d: {  	_ =	swait.ge [sflag:s3], $0xA00  }
0x1e: {  	[sflag:s3] =	ssyncset.done $0x0  }
.LBB2_2:
0x1f: {  	[sflag:s3] =	ssyncadd.s32 $0xFFFFF600  }
0x20: {  	_ =	sfence.sel $0x180000  }
0x21: {  	[bflag:$0x0] =	sbarrier.arrive $0xFFFF  }
0x22: {  	p0 =	sne.s32 s0, $0x0;
	_ =	strace $0x90000047  }
0x23: {  	s0 =	sadd.s32 @!p0 $0x100000, s1;
	[bflag:$0x2] =	sbarrier.arrive $0xFFFF  }
0x24: {  	[sflag:s0] =	ssyncadd.tile.s32 @!p0 $0x1;
	_ =	shalt  }
.Lfunc_end2:
_tile_overlayer_lowered:
.L_overlay_start_2:
0x25: {  	(tag) =	ssettag $0x2  }
0x26: {  	s0 =	rddreg [dreg:$0x0];
	s2 =	stileid.u32  }
0x27: {  	s1 =	rddreg [dreg:$0x1];
	p0 =	sne.s32 s2, $0x0  }
0x28: {  	s3 =	rddreg [dreg:$0x2];
	[bflag:$0x3] =	sbarrier.arrive $0xFFFF;
	s2 =	simm.s32 @!p0 $0x1C02  }
0x29: {  	[timem:s3], [sflag:s2] =	dma.local @!p0 [hbm:s0], s1  }
0x2a: {  	s0 =	simm.s32 @!p0 $0x2  }
0x2b: {  	_ =	swait.ge @!p0 [sflag:s0], s1  }
0x2c: {  	s1 =	ssub.s32 @!p0 $0x0, s1;
	[sflag:s0] =	ssyncset.done @!p0 $0x0  }
0x2d: {  	[sflag:s0] =	ssyncadd.s32 @!p0 s1  }
0x2e: {  	[bflag:$0x3] =	sbarrier.arrive $0xFFFF  }
0x2f: {  	_ =	shalt  }

</sc_bundles>
